<compile_context>
chip_gen: v7x
topology: tpu7x:2x2x1
jax: 0.10.2.dev20260603
libtpu: 0.0.44.dev20260713+nightly
codegen_flags: <defaults>
</compile_context>

<pallas_src>
import functools

import jax
import jax.numpy as jnp
from jax import lax
from jax.experimental import pallas as pl
from jax.experimental.pallas import tpu as pltpu
from jax.experimental.pallas import tpu_sc as plsc

HIDDEN = 768
BATCH = 4
SEQ = 2048
EPS = 1e-12

ROWS = BATCH * SEQ
NC, NS = 2, 16
NW = NC * NS
ROWS_PER_W = ROWS // NW
CHUNK = 64
NCHUNK = ROWS_PER_W // CHUNK


def _gather_body(table_hbm, idx_hbm, out_hbm, idx_v, rows_v, sem):
    wid = lax.axis_index("s") * NC + lax.axis_index("c")
    base = wid * ROWS_PER_W
    pltpu.sync_copy(idx_hbm.at[pl.ds(base, ROWS_PER_W)], idx_v)
    for c in range(NCHUNK):
        buf = rows_v.at[c % 2]
        pltpu.async_copy(
            table_hbm.at[idx_v.at[pl.ds(c * CHUNK, CHUNK)]], buf, sem
        ).wait()
        pltpu.sync_copy(buf, out_hbm.at[pl.ds(base + c * CHUNK, CHUNK)])


@jax.jit
def _sc_gather(table, ids):
    mesh = plsc.VectorSubcoreMesh(core_axis_name="c", subcore_axis_name="s")
    return pl.kernel(
        _gather_body,
        mesh=mesh,
        out_type=jax.ShapeDtypeStruct((ROWS, HIDDEN), jnp.float32),
        scratch_types=[
            pltpu.VMEM((ROWS_PER_W,), jnp.int32),
            pltpu.VMEM((2, CHUNK, HIDDEN), jnp.float32),
            pltpu.SemaphoreType.DMA,
        ],
    )(table, ids)


ROW_BLK = 256
POS_BLKS = SEQ // ROW_BLK


def _ln_body(emb_ref, pos_ref, gamma_ref, beta_ref, out_ref):
    x = emb_ref[...] + pos_ref[...]
    mean = jnp.mean(x, axis=-1, keepdims=True)
    xc = x - mean
    var = jnp.mean(xc * xc, axis=-1, keepdims=True)
    inv = lax.rsqrt(var + EPS)
    out_ref[...] = xc * inv * gamma_ref[...] + beta_ref[...]


@jax.jit
def _tc_layernorm(emb, pos, gamma, beta):
    return pl.pallas_call(
        _ln_body,
        grid=(ROWS // ROW_BLK,),
        in_specs=[
            pl.BlockSpec((ROW_BLK, HIDDEN), lambda i: (i, 0)),
            pl.BlockSpec((ROW_BLK, HIDDEN), lambda i: (i % POS_BLKS, 0)),
            pl.BlockSpec((1, HIDDEN), lambda i: (0, 0)),
            pl.BlockSpec((1, HIDDEN), lambda i: (0, 0)),
        ],
        out_specs=pl.BlockSpec((ROW_BLK, HIDDEN), lambda i: (i, 0)),
        out_shape=jax.ShapeDtypeStruct((ROWS, HIDDEN), jnp.float32),
    )(emb, pos, gamma, beta)


def kernel(input_ids, word_embeddings, position_embeddings, ln_gamma, ln_beta):
    ids = input_ids.reshape(-1).astype(jnp.int32)
    emb = _sc_gather(word_embeddings, ids)
    out = _tc_layernorm(
        emb,
        position_embeddings,
        ln_gamma.reshape(1, HIDDEN),
        ln_beta.reshape(1, HIDDEN),
    )
    return out.reshape(BATCH, SEQ, HIDDEN)

# --- scband reference (transcript-rebuilt; emitter-appended) ---
"""Pipeline reference for scband-bert-embeddings-12137577579183 (READ-ONLY COPY).

The authoritative reference and input builder live on the scoring server;
editing this copy changes nothing except your own understanding.
"""

import jax, jax.numpy as jnp
import numpy as np

VOCAB = 30522
HIDDEN = 768
MAX_POS = 2048
BATCH = 4
SEQ = 2048
EPS = 1e-12
PAD_IDX = 0


def setup_inputs(seed: int = 0) -> dict:
    key = jax.random.key(seed)
    k1, k2, k3 = jax.random.split(key, 3)
    input_ids = jax.random.randint(k1, (BATCH, SEQ), 0, VOCAB, dtype=jnp.int64 if jax.config.read('jax_enable_x64') else jnp.int32)
    word_embeddings = jax.random.normal(k2, (VOCAB, HIDDEN), dtype=jnp.float32) * 0.02
    # padding_idx row is zero-initialized in torch nn.Embedding
    word_embeddings = word_embeddings.at[PAD_IDX].set(0.0)
    position_embeddings = jax.random.normal(k3, (MAX_POS, HIDDEN), dtype=jnp.float32) * 0.02
    ln_gamma = jnp.ones((HIDDEN,), dtype=jnp.float32)
    ln_beta = jnp.zeros((HIDDEN,), dtype=jnp.float32)
    return {
        'input_ids': input_ids,
        'word_embeddings': word_embeddings,
        'position_embeddings': position_embeddings,
        'ln_gamma': ln_gamma,
        'ln_beta': ln_beta,
    }


def reference(input_ids, word_embeddings, position_embeddings, ln_gamma, ln_beta):
    b, t = input_ids.shape
    # word embedding gather
    emb = jnp.take(word_embeddings, input_ids, axis=0)  # [B, T, H]
    # position embedding gather (position_ids = arange(t))
    pos_emb = position_embeddings[:t]  # [T, H]
    emb = emb + pos_emb[None, :, :]
    # LayerNorm over last dim, eps=1e-12 (biased variance, matching torch)
    mean = jnp.mean(emb, axis=-1, keepdims=True)
    var = jnp.mean(jnp.square(emb - mean), axis=-1, keepdims=True)
    normed = (emb - mean) / jnp.sqrt(var + EPS)
    out = normed * ln_gamma + ln_beta
    return out

if __name__ == "__main__":
    import jax
    _d = setup_inputs()
    print(jax.jit(kernel)(*tuple(_d.values())))

</pallas_src>

<mosaic_0001>
#map = affine_map<(d0, d1) -> (0, 0)>
#map1 = affine_map<(d0, d1) -> (0)>
module attributes {stable_mosaic.version = 14 : i64} {
  func.func @_gather_body(%arg0: i32, %arg1: i32, %arg2: memref<30522x768xf32, #tpu.memory_space<hbm>>, %arg3: memref<8192xi32, #tpu.memory_space<hbm>>, %arg4: memref<8192x768xf32, #tpu.memory_space<hbm>>, %arg5: memref<256xi32, #tpu.memory_space<vmem>>, %arg6: memref<2x64x768xf32, #tpu.memory_space<vmem>>, %arg7: memref<!tpu.dma_semaphore, #tpu.memory_space<semaphore_mem>>) attributes {dimension_semantics = [#tpu.dimension_semantics<core_parallel>, #tpu.dimension_semantics<subcore_parallel>], iteration_bounds = array<i64: 2, 16>, scalar_prefetch = 0 : i64, scratch_operands = 3 : i64, tpu.core_type = #tpu.core_type<sc_vector_subcore>, window_params = [{transform_indices = #map}, {transform_indices = #map1}, {transform_indices = #map}]} {
    %mul3A = arith.constant 2 : i32
    %mul3A_0 = arith.muli %arg1, %mul3A : i32
    %add3A = arith.addi %mul3A_0, %arg0 : i32
    %mul3A_1 = arith.constant 256 : i32
    %mul3A_2 = arith.muli %add3A, %mul3A_1 : i32
    "tpu.region"() ({
      %run_scoped3A_92 = tpu.sem_alloc : memref<!tpu.dma_semaphore, #tpu.memory_space<semaphore_mem>>
      %dma_start3A_93 = tpu.memref_slice %arg3[%mul3A_2] : memref<8192xi32, #tpu.memory_space<hbm>> -> memref<256xi32, #tpu.memory_space<hbm>>
      %dma_start3A_94 = tpu.memref_slice %arg3[%mul3A_2] : memref<8192xi32, #tpu.memory_space<hbm>> -> memref<256xi32, #tpu.memory_space<hbm>>
      tpu.enqueue_dma source(%dma_start3A_94 : memref<256xi32, #tpu.memory_space<hbm>>) target(%arg5 : memref<256xi32, #tpu.memory_space<vmem>>) target_semaphore(%run_scoped3A_92 : memref<!tpu.dma_semaphore, #tpu.memory_space<semaphore_mem>>)
      %dma_wait3A_95 = tpu.memref_slice %arg3[%mul3A_2] : memref<8192xi32, #tpu.memory_space<hbm>> -> memref<256xi32, #tpu.memory_space<hbm>>
      %dma_wait3A_96 = tpu.memref_slice %arg3[%mul3A_2] : memref<8192xi32, #tpu.memory_space<hbm>> -> memref<256xi32, #tpu.memory_space<hbm>>
      tpu.wait_dma2 semaphore(%run_scoped3A_92 : memref<!tpu.dma_semaphore, #tpu.memory_space<semaphore_mem>>) src(%dma_wait3A_96 : memref<256xi32, #tpu.memory_space<hbm>>) dst(%arg5 : memref<256xi32, #tpu.memory_space<vmem>>)
      tpu.yield
    }) : () -> ()
    %dma_start3A = arith.constant 0 : i32
    %dma_start3A_3 = arith.constant 0 : i32
    %dma_start3A_4 = arith.constant 0 : i32
    %dma_start3A_5 = tpu.memref_slice %arg6[%dma_start3A, %dma_start3A_3, %dma_start3A_4] : memref<2x64x768xf32, #tpu.memory_space<vmem>> -> memref<1x64x768xf32, #tpu.memory_space<vmem>>
    %dma_start3A_6 = tpu.memref_squeeze %dma_start3A_5 : memref<1x64x768xf32, #tpu.memory_space<vmem>> -> memref<64x768xf32, #tpu.memory_space<vmem>>
    %dma_start3A_7 = arith.constant 0 : i32
    %dma_start3A_8 = tpu.memref_slice %arg5[%dma_start3A_7] : memref<256xi32, #tpu.memory_space<vmem>> -> memref<64xi32, #tpu.memory_space<vmem>>
    %dma_start3A_9 = arith.constant 0 : i32
    %dma_start3A_10 = arith.constant 0 : i32
    %dma_start3A_11 = tpu.memref_slice %arg2[%dma_start3A_9, %dma_start3A_10] : memref<30522x768xf32, #tpu.memory_space<hbm>> -> memref<30522x768xf32, #tpu.memory_space<hbm>>
    tpu.enqueue_indirect_dma source(%dma_start3A_11 : memref<30522x768xf32, #tpu.memory_space<hbm>>) target(%dma_start3A_6 : memref<64x768xf32, #tpu.memory_space<vmem>>) offsets(%dma_start3A_8 : memref<64xi32, #tpu.memory_space<vmem>>) semaphore(%arg7 : memref<!tpu.dma_semaphore, #tpu.memory_space<semaphore_mem>>)
    %dma_wait3A = arith.constant 0 : i32
    %dma_wait3A_12 = arith.constant 0 : i32
    %dma_wait3A_13 = arith.constant 0 : i32
    %dma_wait3A_14 = tpu.memref_slice %arg6[%dma_wait3A, %dma_wait3A_12, %dma_wait3A_13] : memref<2x64x768xf32, #tpu.memory_space<vmem>> -> memref<1x64x768xf32, #tpu.memory_space<vmem>>
    %dma_wait3A_15 = tpu.memref_squeeze %dma_wait3A_14 : memref<1x64x768xf32, #tpu.memory_space<vmem>> -> memref<64x768xf32, #tpu.memory_space<vmem>>
    %dma_wait3A_16 = arith.constant 0 : i32
    %dma_wait3A_17 = tpu.memref_slice %arg5[%dma_wait3A_16] : memref<256xi32, #tpu.memory_space<vmem>> -> memref<64xi32, #tpu.memory_space<vmem>>
    %dma_wait3A_18 = arith.constant 0 : i32
    %dma_wait3A_19 = arith.constant 0 : i32
    %dma_wait3A_20 = tpu.memref_slice %arg2[%dma_wait3A_18, %dma_wait3A_19] : memref<30522x768xf32, #tpu.memory_space<hbm>> -> memref<30522x768xf32, #tpu.memory_space<hbm>>
    tpu.wait_indirect_dma semaphore(%arg7 : memref<!tpu.dma_semaphore, #tpu.memory_space<semaphore_mem>>) src(%dma_wait3A_20 : memref<30522x768xf32, #tpu.memory_space<hbm>>) dst(%dma_wait3A_15 : memref<64x768xf32, #tpu.memory_space<vmem>>)
    %add3A_21 = arith.constant 0 : i32
    %add3A_22 = arith.addi %mul3A_2, %add3A_21 : i32
    %run_scoped3A = arith.constant 0 : i32
    "tpu.region"() ({
      %run_scoped3A_92 = tpu.sem_alloc : memref<!tpu.dma_semaphore, #tpu.memory_space<semaphore_mem>>
      %dma_start3A_93 = arith.constant 0 : i32
      %dma_start3A_94 = arith.constant 0 : i32
      %dma_start3A_95 = tpu.memref_slice %arg6[%run_scoped3A, %dma_start3A_93, %dma_start3A_94] : memref<2x64x768xf32, #tpu.memory_space<vmem>> -> memref<1x64x768xf32, #tpu.memory_space<vmem>>
      %dma_start3A_96 = tpu.memref_squeeze %dma_start3A_95 : memref<1x64x768xf32, #tpu.memory_space<vmem>> -> memref<64x768xf32, #tpu.memory_space<vmem>>
      %dma_start3A_97 = arith.constant 0 : i32
      %dma_start3A_98 = tpu.memref_slice %arg4[%add3A_22, %dma_start3A_97] : memref<8192x768xf32, #tpu.memory_space<hbm>> -> memref<64x768xf32, #tpu.memory_space<hbm>>
      %dma_start3A_99 = arith.constant 0 : i32
      %dma_start3A_100 = tpu.memref_slice %arg4[%add3A_22, %dma_start3A_99] : memref<8192x768xf32, #tpu.memory_space<hbm>> -> memref<64x768xf32, #tpu.memory_space<hbm>>
      %dma_start3A_101 = arith.constant 0 : i32
      %dma_start3A_102 = arith.constant 0 : i32
      %dma_start3A_103 = tpu.memref_slice %arg6[%run_scoped3A, %dma_start3A_101, %dma_start3A_102] : memref<2x64x768xf32, #tpu.memory_space<vmem>> -> memref<1x64x768xf32, #tpu.memory_space<vmem>>
      %dma_start3A_104 = tpu.memref_squeeze %dma_start3A_103 : memref<1x64x768xf32, #tpu.memory_space<vmem>> -> memref<64x768xf32, #tpu.memory_space<vmem>>
      tpu.enqueue_dma source(%dma_start3A_104 : memref<64x768xf32, #tpu.memory_space<vmem>>) target(%dma_start3A_100 : memref<64x768xf32, #tpu.memory_space<hbm>>) target_semaphore(%run_scoped3A_92 : memref<!tpu.dma_semaphore, #tpu.memory_space<semaphore_mem>>)
      %dma_wait3A_105 = arith.constant 0 : i32
      %dma_wait3A_106 = arith.constant 0 : i32
      %dma_wait3A_107 = tpu.memref_slice %arg6[%run_scoped3A, %dma_wait3A_105, %dma_wait3A_106] : memref<2x64x768xf32, #tpu.memory_space<vmem>> -> memref<1x64x768xf32, #tpu.memory_space<vmem>>
      %dma_wait3A_108 = tpu.memref_squeeze %dma_wait3A_107 : memref<1x64x768xf32, #tpu.memory_space<vmem>> -> memref<64x768xf32, #tpu.memory_space<vmem>>
      %dma_wait3A_109 = arith.constant 0 : i32
      %dma_wait3A_110 = tpu.memref_slice %arg4[%add3A_22, %dma_wait3A_109] : memref<8192x768xf32, #tpu.memory_space<hbm>> -> memref<64x768xf32, #tpu.memory_space<hbm>>
      %dma_wait3A_111 = arith.constant 0 : i32
      %dma_wait3A_112 = tpu.memref_slice %arg4[%add3A_22, %dma_wait3A_111] : memref<8192x768xf32, #tpu.memory_space<hbm>> -> memref<64x768xf32, #tpu.memory_space<hbm>>
      %dma_wait3A_113 = arith.constant 0 : i32
      %dma_wait3A_114 = arith.constant 0 : i32
      %dma_wait3A_115 = tpu.memref_slice %arg6[%run_scoped3A, %dma_wait3A_113, %dma_wait3A_114] : memref<2x64x768xf32, #tpu.memory_space<vmem>> -> memref<1x64x768xf32, #tpu.memory_space<vmem>>
      %dma_wait3A_116 = tpu.memref_squeeze %dma_wait3A_115 : memref<1x64x768xf32, #tpu.memory_space<vmem>> -> memref<64x768xf32, #tpu.memory_space<vmem>>
      tpu.wait_dma2 semaphore(%run_scoped3A_92 : memref<!tpu.dma_semaphore, #tpu.memory_space<semaphore_mem>>) src(%dma_wait3A_116 : memref<64x768xf32, #tpu.memory_space<vmem>>) dst(%dma_wait3A_112 : memref<64x768xf32, #tpu.memory_space<hbm>>)
      tpu.yield
    }) : () -> ()
    %dma_start3A_23 = arith.constant 1 : i32
    %dma_start3A_24 = arith.constant 0 : i32
    %dma_start3A_25 = arith.constant 0 : i32
    %dma_start3A_26 = tpu.memref_slice %arg6[%dma_start3A_23, %dma_start3A_24, %dma_start3A_25] : memref<2x64x768xf32, #tpu.memory_space<vmem>> -> memref<1x64x768xf32, #tpu.memory_space<vmem>>
    %dma_start3A_27 = tpu.memref_squeeze %dma_start3A_26 : memref<1x64x768xf32, #tpu.memory_space<vmem>> -> memref<64x768xf32, #tpu.memory_space<vmem>>
    %dma_start3A_28 = arith.constant 64 : i32
    %dma_start3A_29 = tpu.memref_slice %arg5[%dma_start3A_28] : memref<256xi32, #tpu.memory_space<vmem>> -> memref<64xi32, #tpu.memory_space<vmem>>
    %dma_start3A_30 = arith.constant 0 : i32
    %dma_start3A_31 = arith.constant 0 : i32
    %dma_start3A_32 = tpu.memref_slice %arg2[%dma_start3A_30, %dma_start3A_31] : memref<30522x768xf32, #tpu.memory_space<hbm>> -> memref<30522x768xf32, #tpu.memory_space<hbm>>
    tpu.enqueue_indirect_dma source(%dma_start3A_32 : memref<30522x768xf32, #tpu.memory_space<hbm>>) target(%dma_start3A_27 : memref<64x768xf32, #tpu.memory_space<vmem>>) offsets(%dma_start3A_29 : memref<64xi32, #tpu.memory_space<vmem>>) semaphore(%arg7 : memref<!tpu.dma_semaphore, #tpu.memory_space<semaphore_mem>>)
    %dma_wait3A_33 = arith.constant 1 : i32
    %dma_wait3A_34 = arith.constant 0 : i32
    %dma_wait3A_35 = arith.constant 0 : i32
    %dma_wait3A_36 = tpu.memref_slice %arg6[%dma_wait3A_33, %dma_wait3A_34, %dma_wait3A_35] : memref<2x64x768xf32, #tpu.memory_space<vmem>> -> memref<1x64x768xf32, #tpu.memory_space<vmem>>
    %dma_wait3A_37 = tpu.memref_squeeze %dma_wait3A_36 : memref<1x64x768xf32, #tpu.memory_space<vmem>> -> memref<64x768xf32, #tpu.memory_space<vmem>>
    %dma_wait3A_38 = arith.constant 64 : i32
    %dma_wait3A_39 = tpu.memref_slice %arg5[%dma_wait3A_38] : memref<256xi32, #tpu.memory_space<vmem>> -> memref<64xi32, #tpu.memory_space<vmem>>
    %dma_wait3A_40 = arith.constant 0 : i32
    %dma_wait3A_41 = arith.constant 0 : i32
    %dma_wait3A_42 = tpu.memref_slice %arg2[%dma_wait3A_40, %dma_wait3A_41] : memref<30522x768xf32, #tpu.memory_space<hbm>> -> memref<30522x768xf32, #tpu.memory_space<hbm>>
    tpu.wait_indirect_dma semaphore(%arg7 : memref<!tpu.dma_semaphore, #tpu.memory_space<semaphore_mem>>) src(%dma_wait3A_42 : memref<30522x768xf32, #tpu.memory_space<hbm>>) dst(%dma_wait3A_37 : memref<64x768xf32, #tpu.memory_space<vmem>>)
    %add3A_43 = arith.constant 64 : i32
    %add3A_44 = arith.addi %mul3A_2, %add3A_43 : i32
    %run_scoped3A_45 = arith.constant 1 : i32
    "tpu.region"() ({
      %run_scoped3A_92 = tpu.sem_alloc : memref<!tpu.dma_semaphore, #tpu.memory_space<semaphore_mem>>
      %dma_start3A_93 = arith.constant 0 : i32
      %dma_start3A_94 = arith.constant 0 : i32
      %dma_start3A_95 = tpu.memref_slice %arg6[%run_scoped3A_45, %dma_start3A_93, %dma_start3A_94] : memref<2x64x768xf32, #tpu.memory_space<vmem>> -> memref<1x64x768xf32, #tpu.memory_space<vmem>>
      %dma_start3A_96 = tpu.memref_squeeze %dma_start3A_95 : memref<1x64x768xf32, #tpu.memory_space<vmem>> -> memref<64x768xf32, #tpu.memory_space<vmem>>
      %dma_start3A_97 = arith.constant 0 : i32
      %dma_start3A_98 = tpu.memref_slice %arg4[%add3A_44, %dma_start3A_97] : memref<8192x768xf32, #tpu.memory_space<hbm>> -> memref<64x768xf32, #tpu.memory_space<hbm>>
      %dma_start3A_99 = arith.constant 0 : i32
      %dma_start3A_100 = tpu.memref_slice %arg4[%add3A_44, %dma_start3A_99] : memref<8192x768xf32, #tpu.memory_space<hbm>> -> memref<64x768xf32, #tpu.memory_space<hbm>>
      %dma_start3A_101 = arith.constant 0 : i32
      %dma_start3A_102 = arith.constant 0 : i32
      %dma_start3A_103 = tpu.memref_slice %arg6[%run_scoped3A_45, %dma_start3A_101, %dma_start3A_102] : memref<2x64x768xf32, #tpu.memory_space<vmem>> -> memref<1x64x768xf32, #tpu.memory_space<vmem>>
      %dma_start3A_104 = tpu.memref_squeeze %dma_start3A_103 : memref<1x64x768xf32, #tpu.memory_space<vmem>> -> memref<64x768xf32, #tpu.memory_space<vmem>>
      tpu.enqueue_dma source(%dma_start3A_104 : memref<64x768xf32, #tpu.memory_space<vmem>>) target(%dma_start3A_100 : memref<64x768xf32, #tpu.memory_space<hbm>>) target_semaphore(%run_scoped3A_92 : memref<!tpu.dma_semaphore, #tpu.memory_space<semaphore_mem>>)
      %dma_wait3A_105 = arith.constant 0 : i32
      %dma_wait3A_106 = arith.constant 0 : i32
      %dma_wait3A_107 = tpu.memref_slice %arg6[%run_scoped3A_45, %dma_wait3A_105, %dma_wait3A_106] : memref<2x64x768xf32, #tpu.memory_space<vmem>> -> memref<1x64x768xf32, #tpu.memory_space<vmem>>
      %dma_wait3A_108 = tpu.memref_squeeze %dma_wait3A_107 : memref<1x64x768xf32, #tpu.memory_space<vmem>> -> memref<64x768xf32, #tpu.memory_space<vmem>>
      %dma_wait3A_109 = arith.constant 0 : i32
      %dma_wait3A_110 = tpu.memref_slice %arg4[%add3A_44, %dma_wait3A_109] : memref<8192x768xf32, #tpu.memory_space<hbm>> -> memref<64x768xf32, #tpu.memory_space<hbm>>
      %dma_wait3A_111 = arith.constant 0 : i32
      %dma_wait3A_112 = tpu.memref_slice %arg4[%add3A_44, %dma_wait3A_111] : memref<8192x768xf32, #tpu.memory_space<hbm>> -> memref<64x768xf32, #tpu.memory_space<hbm>>
      %dma_wait3A_113 = arith.constant 0 : i32
      %dma_wait3A_114 = arith.constant 0 : i32
      %dma_wait3A_115 = tpu.memref_slice %arg6[%run_scoped3A_45, %dma_wait3A_113, %dma_wait3A_114] : memref<2x64x768xf32, #tpu.memory_space<vmem>> -> memref<1x64x768xf32, #tpu.memory_space<vmem>>
      %dma_wait3A_116 = tpu.memref_squeeze %dma_wait3A_115 : memref<1x64x768xf32, #tpu.memory_space<vmem>> -> memref<64x768xf32, #tpu.memory_space<vmem>>
      tpu.wait_dma2 semaphore(%run_scoped3A_92 : memref<!tpu.dma_semaphore, #tpu.memory_space<semaphore_mem>>) src(%dma_wait3A_116 : memref<64x768xf32, #tpu.memory_space<vmem>>) dst(%dma_wait3A_112 : memref<64x768xf32, #tpu.memory_space<hbm>>)
      tpu.yield
    }) : () -> ()
    %dma_start3A_46 = arith.constant 0 : i32
    %dma_start3A_47 = arith.constant 0 : i32
    %dma_start3A_48 = arith.constant 0 : i32
    %dma_start3A_49 = tpu.memref_slice %arg6[%dma_start3A_46, %dma_start3A_47, %dma_start3A_48] : memref<2x64x768xf32, #tpu.memory_space<vmem>> -> memref<1x64x768xf32, #tpu.memory_space<vmem>>
    %dma_start3A_50 = tpu.memref_squeeze %dma_start3A_49 : memref<1x64x768xf32, #tpu.memory_space<vmem>> -> memref<64x768xf32, #tpu.memory_space<vmem>>
    %dma_start3A_51 = arith.constant 128 : i32
    %dma_start3A_52 = tpu.memref_slice %arg5[%dma_start3A_51] : memref<256xi32, #tpu.memory_space<vmem>> -> memref<64xi32, #tpu.memory_space<vmem>>
    %dma_start3A_53 = arith.constant 0 : i32
    %dma_start3A_54 = arith.constant 0 : i32
    %dma_start3A_55 = tpu.memref_slice %arg2[%dma_start3A_53, %dma_start3A_54] : memref<30522x768xf32, #tpu.memory_space<hbm>> -> memref<30522x768xf32, #tpu.memory_space<hbm>>
    tpu.enqueue_indirect_dma source(%dma_start3A_55 : memref<30522x768xf32, #tpu.memory_space<hbm>>) target(%dma_start3A_50 : memref<64x768xf32, #tpu.memory_space<vmem>>) offsets(%dma_start3A_52 : memref<64xi32, #tpu.memory_space<vmem>>) semaphore(%arg7 : memref<!tpu.dma_semaphore, #tpu.memory_space<semaphore_mem>>)
    %dma_wait3A_56 = arith.constant 0 : i32
    %dma_wait3A_57 = arith.constant 0 : i32
    %dma_wait3A_58 = arith.constant 0 : i32
    %dma_wait3A_59 = tpu.memref_slice %arg6[%dma_wait3A_56, %dma_wait3A_57, %dma_wait3A_58] : memref<2x64x768xf32, #tpu.memory_space<vmem>> -> memref<1x64x768xf32, #tpu.memory_space<vmem>>
    %dma_wait3A_60 = tpu.memref_squeeze %dma_wait3A_59 : memref<1x64x768xf32, #tpu.memory_space<vmem>> -> memref<64x768xf32, #tpu.memory_space<vmem>>
    %dma_wait3A_61 = arith.constant 128 : i32
    %dma_wait3A_62 = tpu.memref_slice %arg5[%dma_wait3A_61] : memref<256xi32, #tpu.memory_space<vmem>> -> memref<64xi32, #tpu.memory_space<vmem>>
    %dma_wait3A_63 = arith.constant 0 : i32
    %dma_wait3A_64 = arith.constant 0 : i32
    %dma_wait3A_65 = tpu.memref_slice %arg2[%dma_wait3A_63, %dma_wait3A_64] : memref<30522x768xf32, #tpu.memory_space<hbm>> -> memref<30522x768xf32, #tpu.memory_space<hbm>>
    tpu.wait_indirect_dma semaphore(%arg7 : memref<!tpu.dma_semaphore, #tpu.memory_space<semaphore_mem>>) src(%dma_wait3A_65 : memref<30522x768xf32, #tpu.memory_space<hbm>>) dst(%dma_wait3A_60 : memref<64x768xf32, #tpu.memory_space<vmem>>)
    %add3A_66 = arith.constant 128 : i32
    %add3A_67 = arith.addi %mul3A_2, %add3A_66 : i32
    %run_scoped3A_68 = arith.constant 0 : i32
    "tpu.region"() ({
      %run_scoped3A_92 = tpu.sem_alloc : memref<!tpu.dma_semaphore, #tpu.memory_space<semaphore_mem>>
      %dma_start3A_93 = arith.constant 0 : i32
      %dma_start3A_94 = arith.constant 0 : i32
      %dma_start3A_95 = tpu.memref_slice %arg6[%run_scoped3A_68, %dma_start3A_93, %dma_start3A_94] : memref<2x64x768xf32, #tpu.memory_space<vmem>> -> memref<1x64x768xf32, #tpu.memory_space<vmem>>
      %dma_start3A_96 = tpu.memref_squeeze %dma_start3A_95 : memref<1x64x768xf32, #tpu.memory_space<vmem>> -> memref<64x768xf32, #tpu.memory_space<vmem>>
      %dma_start3A_97 = arith.constant 0 : i32
      %dma_start3A_98 = tpu.memref_slice %arg4[%add3A_67, %dma_start3A_97] : memref<8192x768xf32, #tpu.memory_space<hbm>> -> memref<64x768xf32, #tpu.memory_space<hbm>>
      %dma_start3A_99 = arith.constant 0 : i32
      %dma_start3A_100 = tpu.memref_slice %arg4[%add3A_67, %dma_start3A_99] : memref<8192x768xf32, #tpu.memory_space<hbm>> -> memref<64x768xf32, #tpu.memory_space<hbm>>
      %dma_start3A_101 = arith.constant 0 : i32
      %dma_start3A_102 = arith.constant 0 : i32
      %dma_start3A_103 = tpu.memref_slice %arg6[%run_scoped3A_68, %dma_start3A_101, %dma_start3A_102] : memref<2x64x768xf32, #tpu.memory_space<vmem>> -> memref<1x64x768xf32, #tpu.memory_space<vmem>>
      %dma_start3A_104 = tpu.memref_squeeze %dma_start3A_103 : memref<1x64x768xf32, #tpu.memory_space<vmem>> -> memref<64x768xf32, #tpu.memory_space<vmem>>
      tpu.enqueue_dma source(%dma_start3A_104 : memref<64x768xf32, #tpu.memory_space<vmem>>) target(%dma_start3A_100 : memref<64x768xf32, #tpu.memory_space<hbm>>) target_semaphore(%run_scoped3A_92 : memref<!tpu.dma_semaphore, #tpu.memory_space<semaphore_mem>>)
      %dma_wait3A_105 = arith.constant 0 : i32
      %dma_wait3A_106 = arith.constant 0 : i32
      %dma_wait3A_107 = tpu.memref_slice %arg6[%run_scoped3A_68, %dma_wait3A_105, %dma_wait3A_106] : memref<2x64x768xf32, #tpu.memory_space<vmem>> -> memref<1x64x768xf32, #tpu.memory_space<vmem>>
      %dma_wait3A_108 = tpu.memref_squeeze %dma_wait3A_107 : memref<1x64x768xf32, #tpu.memory_space<vmem>> -> memref<64x768xf32, #tpu.memory_space<vmem>>
      %dma_wait3A_109 = arith.constant 0 : i32
      %dma_wait3A_110 = tpu.memref_slice %arg4[%add3A_67, %dma_wait3A_109] : memref<8192x768xf32, #tpu.memory_space<hbm>> -> memref<64x768xf32, #tpu.memory_space<hbm>>
      %dma_wait3A_111 = arith.constant 0 : i32
      %dma_wait3A_112 = tpu.memref_slice %arg4[%add3A_67, %dma_wait3A_111] : memref<8192x768xf32, #tpu.memory_space<hbm>> -> memref<64x768xf32, #tpu.memory_space<hbm>>
      %dma_wait3A_113 = arith.constant 0 : i32
      %dma_wait3A_114 = arith.constant 0 : i32
      %dma_wait3A_115 = tpu.memref_slice %arg6[%run_scoped3A_68, %dma_wait3A_113, %dma_wait3A_114] : memref<2x64x768xf32, #tpu.memory_space<vmem>> -> memref<1x64x768xf32, #tpu.memory_space<vmem>>
      %dma_wait3A_116 = tpu.memref_squeeze %dma_wait3A_115 : memref<1x64x768xf32, #tpu.memory_space<vmem>> -> memref<64x768xf32, #tpu.memory_space<vmem>>
      tpu.wait_dma2 semaphore(%run_scoped3A_92 : memref<!tpu.dma_semaphore, #tpu.memory_space<semaphore_mem>>) src(%dma_wait3A_116 : memref<64x768xf32, #tpu.memory_space<vmem>>) dst(%dma_wait3A_112 : memref<64x768xf32, #tpu.memory_space<hbm>>)
      tpu.yield
    }) : () -> ()
    %dma_start3A_69 = arith.constant 1 : i32
    %dma_start3A_70 = arith.constant 0 : i32
    %dma_start3A_71 = arith.constant 0 : i32
    %dma_start3A_72 = tpu.memref_slice %arg6[%dma_start3A_69, %dma_start3A_70, %dma_start3A_71] : memref<2x64x768xf32, #tpu.memory_space<vmem>> -> memref<1x64x768xf32, #tpu.memory_space<vmem>>
    %dma_start3A_73 = tpu.memref_squeeze %dma_start3A_72 : memref<1x64x768xf32, #tpu.memory_space<vmem>> -> memref<64x768xf32, #tpu.memory_space<vmem>>
    %dma_start3A_74 = arith.constant 192 : i32
    %dma_start3A_75 = tpu.memref_slice %arg5[%dma_start3A_74] : memref<256xi32, #tpu.memory_space<vmem>> -> memref<64xi32, #tpu.memory_space<vmem>>
    %dma_start3A_76 = arith.constant 0 : i32
    %dma_start3A_77 = arith.constant 0 : i32
    %dma_start3A_78 = tpu.memref_slice %arg2[%dma_start3A_76, %dma_start3A_77] : memref<30522x768xf32, #tpu.memory_space<hbm>> -> memref<30522x768xf32, #tpu.memory_space<hbm>>
    tpu.enqueue_indirect_dma source(%dma_start3A_78 : memref<30522x768xf32, #tpu.memory_space<hbm>>) target(%dma_start3A_73 : memref<64x768xf32, #tpu.memory_space<vmem>>) offsets(%dma_start3A_75 : memref<64xi32, #tpu.memory_space<vmem>>) semaphore(%arg7 : memref<!tpu.dma_semaphore, #tpu.memory_space<semaphore_mem>>)
    %dma_wait3A_79 = arith.constant 1 : i32
    %dma_wait3A_80 = arith.constant 0 : i32
    %dma_wait3A_81 = arith.constant 0 : i32
    %dma_wait3A_82 = tpu.memref_slice %arg6[%dma_wait3A_79, %dma_wait3A_80, %dma_wait3A_81] : memref<2x64x768xf32, #tpu.memory_space<vmem>> -> memref<1x64x768xf32, #tpu.memory_space<vmem>>
    %dma_wait3A_83 = tpu.memref_squeeze %dma_wait3A_82 : memref<1x64x768xf32, #tpu.memory_space<vmem>> -> memref<64x768xf32, #tpu.memory_space<vmem>>
    %dma_wait3A_84 = arith.constant 192 : i32
    %dma_wait3A_85 = tpu.memref_slice %arg5[%dma_wait3A_84] : memref<256xi32, #tpu.memory_space<vmem>> -> memref<64xi32, #tpu.memory_space<vmem>>
    %dma_wait3A_86 = arith.constant 0 : i32
    %dma_wait3A_87 = arith.constant 0 : i32
    %dma_wait3A_88 = tpu.memref_slice %arg2[%dma_wait3A_86, %dma_wait3A_87] : memref<30522x768xf32, #tpu.memory_space<hbm>> -> memref<30522x768xf32, #tpu.memory_space<hbm>>
    tpu.wait_indirect_dma semaphore(%arg7 : memref<!tpu.dma_semaphore, #tpu.memory_space<semaphore_mem>>) src(%dma_wait3A_88 : memref<30522x768xf32, #tpu.memory_space<hbm>>) dst(%dma_wait3A_83 : memref<64x768xf32, #tpu.memory_space<vmem>>)
    %add3A_89 = arith.constant 192 : i32
    %add3A_90 = arith.addi %mul3A_2, %add3A_89 : i32
    %run_scoped3A_91 = arith.constant 1 : i32
    "tpu.region"() ({
      %run_scoped3A_92 = tpu.sem_alloc : memref<!tpu.dma_semaphore, #tpu.memory_space<semaphore_mem>>
      %dma_start3A_93 = arith.constant 0 : i32
      %dma_start3A_94 = arith.constant 0 : i32
      %dma_start3A_95 = tpu.memref_slice %arg6[%run_scoped3A_91, %dma_start3A_93, %dma_start3A_94] : memref<2x64x768xf32, #tpu.memory_space<vmem>> -> memref<1x64x768xf32, #tpu.memory_space<vmem>>
      %dma_start3A_96 = tpu.memref_squeeze %dma_start3A_95 : memref<1x64x768xf32, #tpu.memory_space<vmem>> -> memref<64x768xf32, #tpu.memory_space<vmem>>
      %dma_start3A_97 = arith.constant 0 : i32
      %dma_start3A_98 = tpu.memref_slice %arg4[%add3A_90, %dma_start3A_97] : memref<8192x768xf32, #tpu.memory_space<hbm>> -> memref<64x768xf32, #tpu.memory_space<hbm>>
      %dma_start3A_99 = arith.constant 0 : i32
      %dma_start3A_100 = tpu.memref_slice %arg4[%add3A_90, %dma_start3A_99] : memref<8192x768xf32, #tpu.memory_space<hbm>> -> memref<64x768xf32, #tpu.memory_space<hbm>>
      %dma_start3A_101 = arith.constant 0 : i32
      %dma_start3A_102 = arith.constant 0 : i32
      %dma_start3A_103 = tpu.memref_slice %arg6[%run_scoped3A_91, %dma_start3A_101, %dma_start3A_102] : memref<2x64x768xf32, #tpu.memory_space<vmem>> -> memref<1x64x768xf32, #tpu.memory_space<vmem>>
      %dma_start3A_104 = tpu.memref_squeeze %dma_start3A_103 : memref<1x64x768xf32, #tpu.memory_space<vmem>> -> memref<64x768xf32, #tpu.memory_space<vmem>>
      tpu.enqueue_dma source(%dma_start3A_104 : memref<64x768xf32, #tpu.memory_space<vmem>>) target(%dma_start3A_100 : memref<64x768xf32, #tpu.memory_space<hbm>>) target_semaphore(%run_scoped3A_92 : memref<!tpu.dma_semaphore, #tpu.memory_space<semaphore_mem>>)
      %dma_wait3A_105 = arith.constant 0 : i32
      %dma_wait3A_106 = arith.constant 0 : i32
      %dma_wait3A_107 = tpu.memref_slice %arg6[%run_scoped3A_91, %dma_wait3A_105, %dma_wait3A_106] : memref<2x64x768xf32, #tpu.memory_space<vmem>> -> memref<1x64x768xf32, #tpu.memory_space<vmem>>
      %dma_wait3A_108 = tpu.memref_squeeze %dma_wait3A_107 : memref<1x64x768xf32, #tpu.memory_space<vmem>> -> memref<64x768xf32, #tpu.memory_space<vmem>>
      %dma_wait3A_109 = arith.constant 0 : i32
      %dma_wait3A_110 = tpu.memref_slice %arg4[%add3A_90, %dma_wait3A_109] : memref<8192x768xf32, #tpu.memory_space<hbm>> -> memref<64x768xf32, #tpu.memory_space<hbm>>
      %dma_wait3A_111 = arith.constant 0 : i32
      %dma_wait3A_112 = tpu.memref_slice %arg4[%add3A_90, %dma_wait3A_111] : memref<8192x768xf32, #tpu.memory_space<hbm>> -> memref<64x768xf32, #tpu.memory_space<hbm>>
      %dma_wait3A_113 = arith.constant 0 : i32
      %dma_wait3A_114 = arith.constant 0 : i32
      %dma_wait3A_115 = tpu.memref_slice %arg6[%run_scoped3A_91, %dma_wait3A_113, %dma_wait3A_114] : memref<2x64x768xf32, #tpu.memory_space<vmem>> -> memref<1x64x768xf32, #tpu.memory_space<vmem>>
      %dma_wait3A_116 = tpu.memref_squeeze %dma_wait3A_115 : memref<1x64x768xf32, #tpu.memory_space<vmem>> -> memref<64x768xf32, #tpu.memory_space<vmem>>
      tpu.wait_dma2 semaphore(%run_scoped3A_92 : memref<!tpu.dma_semaphore, #tpu.memory_space<semaphore_mem>>) src(%dma_wait3A_116 : memref<64x768xf32, #tpu.memory_space<vmem>>) dst(%dma_wait3A_112 : memref<64x768xf32, #tpu.memory_space<hbm>>)
      tpu.yield
    }) : () -> ()
    return
  }
}

</mosaic_0001>

<sc_bundles>
// kernel: _sc_gather.3.cloned.1.call-start
scs
__scs_entry_jumppad:
0x0: {  	(pc) =	sbr.rel $0x88, $3  }
0x1: {  	(tag) =	ssettag $0x0;
	lr =	simm.s32 $0x1  }
0x2: {  	[smem:$0x3F9F] =	sst lr;
	_ =	strace $0xD0000000  }
0x3: {  	_ = 	snop  }
0x4: {  	_ = 	snop  }
0x5: {  	_ = 	snop  }
0x6: {  	_ = 	snop  }
0x7: {  	_ = 	snop  }
__scs_overlays_trampoline_lowered:
0x8: {  	[smem:$0x3FAE] =	sst s0  }
0x9: {  	[smem:$0x3FAF] =	sst s1  }
0xa: {  	[smem:$0x3FB0] =	sst s2  }
0xb: {  	[smem:$0x3FB1] =	sst s3  }
0xc: {  	[smem:$0x3FB2] =	sst s4  }
0xd: {  	[smem:$0x3FB3] =	sst s5  }
0xe: {  	[smem:$0x3FB4] =	sst s6  }
0xf: {  	[smem:$0x3FB5] =	sst s7  }
0x10: {  	[smem:$0x3FB6] =	sst s8  }
0x11: {  	[smem:$0x3FB7] =	sst s9;
	s0 =	simm.s32 @!p0 $0x0  }
0x12: {  	s1 =	sld [smem:$0x3F9D];
	s0 =	simm.s32 @p0 $0x1  }
0x13: {  	[smem:$0x3FB8] =	sst s0;
	s0 =	simm.s32 @!p1 $0x0  }
0x14: {  	s2 =	sld [smem:$0x3F9C];
	s0 =	simm.s32 @p1 $0x1  }
0x15: {  	[smem:$0x3FB9] =	sst s0;
	s0 =	simm.s32 @!p2 $0x0  }
0x16: {  	s3 =	sld [smem:$0x3FDB];
	s0 =	simm.s32 @p2 $0x1  }
0x17: {  	s4 =	simm.s32 $0x1BF5;
	[smem:$0x3FBB] =	sst s0  }
0x18: {  	s0 =	sld [smem:$0x3F9E];
	_ =	swait.ge [sflag:s4], $0x0  }
0x19: {  	s7 =	sld [smem:$0x3F9F]  }
0x1a: {  	s8 =	sadd.s32 $0xFFFFE003, lr  }
0x1b: {  	s9 =	sadd.s32 $0xFFFFFEF7, lr;
	s5 =	simm.s32 $0xFFFFFFFF;
	p2 =	slt.u32 s8, $0xFFFFF086  }
0x1c: {  	p1 =	slt.u32 s9, $0xF7A;
	s5 =	simm.s32 @!p2 $0x0  }
0x1d: {  	s5 =	simm.s32 @p1 $0x1;
	p0 =	seq.s32 s7, s2  }
0x1e: {  	s7 =	smul.u32 @!p0 $0xF7A, s2;
	p2 =	seq.s32 @!p0 s5, $0x0  }
0x1f: {  	s9 =	smul.u32 $0xF7A, s1;
	s8 =	simm.s32 @!p0 $0x1BF5;
	p2 =	por !p2, p0  }
0x20: {  	[sflag:s8] =	ssyncset.s32 @!p0 $0xFFFFF086;
	s6 =	sadd.s32 @!p0 s3, s7;
	s7 =	simm.s32 @!p0 $0x108  }
0x21: {  	s3 =	sadd.s32 s3, s9;
	s6 =	sadd.s32 @!p0 $0x88, s6;
	s7 =	simm.s32 @p2 $0x1082  }
0x22: {  	[simem:s7], [sflag:s8] =	dma.local @!p0 [hbm:s6], $0xF7A  }
0x23: {  	s9 =	sor.u32 $0xD0000000, s2;
	s6 =	simm.s32 $0x108;
	_ =	swait.ge @!p0 [sflag:s8], $0x0  }
0x24: {  	s3 =	sadd.s32 $0x88, s3;
	s6 =	simm.s32 @!p1 $0x1082;
	[sflag:s4] =	ssyncset.s32 $0xFFFFF086  }
0x25: {  	[simem:s6], [sflag:s4] =	dma.local [hbm:s3], $0xF7A  }
0x26: {  	[smem:$0x3F9F] =	sst s1;
	(tag) =	ssettag s2;
	_ =	strace s9  }
0x27: {  	s1 =	sld [smem:$0x3FAF]  }
0x28: {  	s2 =	sld [smem:$0x3FB0]  }
0x29: {  	s4 =	sld [smem:$0x3FB2]  }
0x2a: {  	p0 =	seq.s32 s5, $0x0;
	s5 =	sld [smem:$0x3FB3]  }
0x2b: {  	s6 =	sld [smem:$0x3FB4]  }
0x2c: {  	s7 =	sld [smem:$0x3FB5]  }
0x2d: {  	s3 =	simm.s32 $0x108;
	s8 =	sld [smem:$0x3FB6]  }
0x2e: {  	s3 =	simm.s32 @!p0 $0x1082;
	s9 =	sld [smem:$0x3FB7]  }
0x2f: {  	lr =	sadd.s32 s0, s3;
	s0 =	sld [smem:$0x3FAE]  }
0x30: {  	s3 =	sld [smem:$0x3FB1]  }
0x31: {  	[smem:$0x3FBA] =	sst s10  }
0x32: {  	s10 =	sld [smem:$0x3FB8];
	_ =	sdelay $0x3  }
0x33: {  	p0 =	seq.s32 s10, $0x1;
	s10 =	sld [smem:$0x3FBA];
	_ =	sdelay $0x3  }
0x34: {  	[smem:$0x3FBA] =	sst s10  }
0x35: {  	s10 =	sld [smem:$0x3FB9];
	_ =	sdelay $0x3  }
0x36: {  	p1 =	seq.s32 s10, $0x1;
	s10 =	sld [smem:$0x3FBA];
	_ =	sdelay $0x3  }
0x37: {  	[smem:$0x3FBA] =	sst s10  }
0x38: {  	s10 =	sld [smem:$0x3FBB]  }
0x39: {  	_ = 	snop;
	(pc) =	sbr.ind lr, $3  }
0x3a: {  	_ = 	snop  }
0x3b: {  	_ = 	snop  }
0x3c: {  	p2 =	seq.s32 s10, $0x1;
	s10 =	sld [smem:$0x3FBA]  }
0x3d: {  	_ =	shalt  }
0x3e: {  	_ =	shalt  }
0x3f: {  	_ =	shalt  }
0x40: {  	_ =	shalt  }
0x41: {  	_ =	shalt  }
0x42: {  	_ =	shalt  }
0x43: {  	_ =	shalt  }
0x44: {  	_ =	shalt  }
0x45: {  	_ =	shalt  }
0x46: {  	_ =	shalt  }
0x47: {  	_ =	shalt  }
0x48: {  	_ =	shalt  }
0x49: {  	_ =	shalt  }
0x4a: {  	_ =	shalt  }
0x4b: {  	_ =	shalt  }
0x4c: {  	_ =	shalt  }
0x4d: {  	_ =	shalt  }
0x4e: {  	_ =	shalt  }
0x4f: {  	_ =	shalt  }
0x50: {  	_ =	shalt  }
0x51: {  	_ =	shalt  }
0x52: {  	_ =	shalt  }
0x53: {  	_ =	shalt  }
0x54: {  	_ =	shalt  }
0x55: {  	_ =	shalt  }
0x56: {  	_ =	shalt  }
0x57: {  	_ =	shalt  }
0x58: {  	_ =	shalt  }
0x59: {  	_ =	shalt  }
0x5a: {  	_ =	shalt  }
0x5b: {  	_ =	shalt  }
0x5c: {  	_ =	shalt  }
0x5d: {  	_ =	shalt  }
0x5e: {  	_ =	shalt  }
0x5f: {  	_ =	shalt  }
0x60: {  	_ =	shalt  }
0x61: {  	_ =	shalt  }
0x62: {  	_ =	shalt  }
0x63: {  	_ =	shalt  }
0x64: {  	_ =	shalt  }
0x65: {  	_ =	shalt  }
0x66: {  	_ =	shalt  }
0x67: {  	_ =	shalt  }
0x68: {  	_ =	shalt  }
0x69: {  	_ =	shalt  }
0x6a: {  	_ =	shalt  }
0x6b: {  	_ =	shalt  }
0x6c: {  	_ =	shalt  }
0x6d: {  	_ =	shalt  }
0x6e: {  	_ =	shalt  }
0x6f: {  	_ =	shalt  }
0x70: {  	_ =	shalt  }
0x71: {  	_ =	shalt  }
0x72: {  	_ =	shalt  }
0x73: {  	_ =	shalt  }
0x74: {  	_ =	shalt  }
0x75: {  	_ =	shalt  }
0x76: {  	_ =	shalt  }
0x77: {  	_ =	shalt  }
0x78: {  	_ =	shalt  }
0x79: {  	_ =	shalt  }
0x7a: {  	_ =	shalt  }
0x7b: {  	_ =	shalt  }
0x7c: {  	_ =	shalt  }
0x7d: {  	_ =	shalt  }
0x7e: {  	_ =	shalt  }
0x7f: {  	_ =	shalt  }
0x80: {  	_ =	shalt  }
0x81: {  	_ =	shalt  }
0x82: {  	_ =	shalt  }
0x83: {  	_ =	shalt  }
0x84: {  	_ =	shalt  }
0x85: {  	_ =	shalt  }
0x86: {  	_ =	shalt  }
0x87: {  	_ =	shalt  }
.Lfunc_end0:
.L_simem_size_0:
called_computation_lowered:
.L_overlay_start_0:
0x88: {  	s2 =	sld [smem:$0x3FD9]  }
0x89: {  	s3 =	sld [smem:$0x3FFE];
	_ =	sdelay $0x1  }
0x8a: {  	s1 =	srdreg.scid  }
0x8b: {  	s0 =	sand.u32 $0x1, s1  }
0x8c: {  	s18 =	sshll.u32 s0, $0xA;
	s2 =	sadd.s32 s3, s2  }
0x8d: {  	s2 =	sadd.s32 s2, s18  }
0x8e: {  	[smem:$0x3FC6] =	sst s2  }
0x8f: {  	_ = 	snop  }
0x90: {  	s2 =	sld [smem:$0x3FC9]  }
0x91: {  	s19 =	sld [smem:$0x3FC8]  }
0x92: {  	s4 =	sld [smem:$0x3FD0];
	(tm) =	ssettm $0x1  }
0x93: {  	s5 =	sld [smem:$0x3FFB];
	_ =	sdelay $0x3  }
0x94: {  	_ =	strace s5  }
0x95: {  	s5 =	sld [smem:$0x3FFC];
	_ =	sdelay $0x3  }
0x96: {  	_ =	strace s5  }
0x97: {  	s5 =	sld [smem:$0x3FFD];
	_ =	sdelay $0x3  }
0x98: {  	_ =	strace s5  }
0x99: {  	_ =	strace $0x8FFFFFFF  }
0x9a: {  	s20 =	sld [smem:$0x3FDB];
	_ =	sdelay $0x1  }
0x9b: {  	s6 =	simm.s32 $_scs_section_size  }
0x9c: {  	s7 =	simm.s32 $_size__tile_overlayer_lowered;
	s8 =	simm.s32 $_tile_overlayer_lowered  }
0x9d: {  	s23 =	simm.s32 $0x1BFF;
	s22 =	sshll.u32 s8, $0x1;
	s5 =	sadd.s32 s6, s20  }
0x9e: {  	s9 =	simm.s32 $0x0;
	s21 =	sshll.u32 s7, $0x1;
	s7 =	sadd.s32 s22, s5  }
0x9f: {  	[timem:s9], [sflag:s23] =	dma.local [hbm:s7], s21  }
0xa0: {  	_ =	swait.ge [sflag:s23], s21  }
0xa1: {  	s6 =	ssub.s32 $0x0, s21;
	[sflag:s23] =	ssyncset.done $0x0  }
0xa2: {  	[sflag:s23] =	ssyncadd.s32 s6;
	_ =	sdelay $0x1  }
0xa3: {  	s24 =	simm.s32 $0x1B8B  }
0xa4: {  	_ =	swait.ge [sflag:s24], $0x1  }
0xa5: {  	[sflag:s24] =	ssyncset.done $0x0  }
0xa6: {  	s25 =	simm.s32 $0x1B8E;
	[sflag:s24] =	ssyncadd.s32 $0xFFFFFFFF  }
0xa7: {  	s26 =	simm.s32 $execute0_lowered;
	[smem:$0x3FD2] =	sst s25  }
0xa8: {  	s6 =	sshll.u32 s26, $0x1;
	_ =	strace $0x80000046;
	[dreg:$0x1] =	wrdreg $0xFFFFFFFF  }
0xa9: {  	s28 =	simm.s32 $_size_execute0_lowered;
	s5 =	sadd.s32 s5, s6;
	[dreg:$0x0] =	wrdreg $0x0  }
0xaa: {  	s6 =	sshll.u32 s28, $0x1;
	[dreg:$0x2] =	wrdreg s5  }
0xab: {  	[dreg:$0x3] =	wrdreg s6  }
0xac: {  	[dreg:$0x4] =	wrdreg $0xC0  }
0xad: {  	_ =	task [dreg:s9], $0x5FFFF  }
0xae: {  	[dreg:$0x1] =	wrdreg $0xFFFFFFFF  }
0xaf: {  	[dreg:$0x0] =	wrdreg $0x60  }
0xb0: {  	[dreg:$0x2] =	wrdreg s2  }
0xb1: {  	[dreg:$0x3] =	wrdreg s19  }
0xb2: {  	[dreg:$0x4] =	wrdreg s4  }
0xb3: {  	[dreg:$0x5] =	wrdreg $0x9  }
0xb4: {  	_ =	task.clear_ibuf [dreg:s9], $0x6FFFF;
	_ =	strace $0x90000046  }
0xb5: {  	s29 =	simm.s32 $0x9;
	_ =	strace $0x80000048  }
0xb6: {  	_ =	swait.ge [sflag:s29], $0x1  }
0xb7: {  	[sflag:s29] =	ssyncadd.s32 $0xFFFFFFFF  }
0xb8: {  	_ =	strace $0x90000048  }
0xb9: {  	_ =	sfence  }
0xba: {  	s30 =	sld [smem:$0x0];
	_ =	sdelay $0x2  }
0xbb: {  	s31 =	sshll.u32 s1, $0xD;
	s1 =	sshrl.u32 s1, $0x2  }
0xbc: {  	s3 =	sand.u32 $0x4000, s31;
	s1 =	sadd.s32 s1, s30  }
0xbd: {  	s0 =	sor.u32 s3, s0;
	s1 =	sshll.u32 s1, $0x11  }
0xbe: {  	s0 =	sor.u32 s1, s0  }
0xbf: {  	s0 =	sadd.s32 $0x8F2B, s0  }
0xc0: {  	[sflag:s0] =	ssyncadd.remote.s32 $0x1  }
0xc1: {  	_ =	sfence.sel $0xFFFF  }
0xc2: {  	[dreg:$0x0] =	wrdreg $0xFFFFFFFF;
	(pc) =	sbr.abs _section_cstart, $3  }
0xc3: {  	[dreg:$0x1] =	wrdreg $0xFFFFFFFF  }
0xc4: {  	_ =	task.clear_ibuf [dreg:s9], $0x2FFFF;
	_ =	strace $0x9FFFFFFF  }
0xc5: {  	(tm) =	ssettm $0x7FFFFFFF  }
tec
execute0_lowered:
.L_overlay_start_1:
0x0: {  	(tag) =	ssettag $0x1  }
0x1: {  	s0 =	srdreg.scid;
	s1 =	rddreg [dreg:$0x0]  }
0x2: {  	s3 =	stileid.u32;
	s2 =	rddreg [dreg:$0x1]  }
0x3: {  	s5 =	rddreg [dreg:$0x2];
	s8 =	simm.s32 $0x2;
	s10 =	simm.s32 $0x100  }
0x4: {  	s13 =	simm.s32 $0x900;
	s14 =	simm.s32 $0x1100;
	s15 =	simm.s32 $0x1900  }
0x5: {  	s16 =	simm.s32 $0x2100;
	s17 =	simm.s32 $0x2900;
	s18 =	simm.s32 $0x3100  }
0x6: {  	s19 =	simm.s32 $0x3900;
	s20 =	simm.s32 $0x4100;
	s21 =	simm.s32 $0x4900  }
0x7: {  	s28 =	simm.s32 $0x7900;
	s29 =	simm.s32 $0x8100;
	s30 =	simm.s32 $0x8900  }
0x8: {  	s31 =	simm.s32 $0x9100;
	s11 =	simm.s32 $0xA900;
	s0 =	sand.u32 $0x1, s0  }
0x9: {  	s9 =	simm.s32 $0xB100;
	s3 =	sshll.u32 s3, $0x6;
	s4 =	sshll.u32 s0, $0x5  }
0xa: {  	s0 =	ssub.s32 $0x2, s0;
	s4 =	sor.u32 s4, s3;
	s3 =	simm.s32 $0x0  }
0xb: {  	s24 =	sshrl.u32 s0, $0x1;
	s6 =	smul.u32 $0x300, s4;
	[smem:$0x7FF] =	sst s3  }
0xc: {  	s7 =	smul.u32 $0x1800, s4;
	s2 =	sadd.s32 s2, s4;
	s0 =	ssub.s32 s0, s24  }
0xd: {  	s24 =	simm.s32 $0x6100;
	_ =	strace $0x80000047;
	[dreg:$0x4] =	wrdreg s2  }
0xe: {  	s6 =	sadd.s32 s5, s6;
	s22 =	sshrl.u32 s7, $0x3;
	s7 =	smax.u32 s0, $0x1  }
0xf: {  	[dreg:$0x8] =	wrdreg s6;
	s23 =	sadd.s32 $0x1800, s6;
	s4 =	sadd.s32 s5, s22  }
0x10: {  	s5 =	sadd.s32 $0x100, s1;
	s6 =	sadd.s32 $0x200, s1;
	s22 =	simm.s32 $0x5100  }
0x11: {  	v2 =	vlaneseq.u32;
	[dreg:$0x5] =	wrdreg s23;
	s25 =	sadd.s32 $0x3000, s4;
	s26 =	sadd.s32 $0x4800, s4  }
0x12: {  	vm0 =	vmmov $0xffff;
	v1 =	vshrl.u32 v2, $0x3;
	s4 =	simm.s32 $0x1;
	s23 =	simm.s32 $0x5900;
	[dreg:$0x6] =	wrdreg s25  }
0x13: {  	v0 =	vand.u32 $0x7, v2;
	v2 =	vor.u32 $0x8, v2;
	v1 =	vmul.u32 $0x8, v1;
	[dreg:$0x7] =	wrdreg s26;
	s25 =	simm.s32 $0x6900;
	s26 =	simm.s32 $0x7100  }
.LBB2_1:
0x14: {  	s12 =	rddreg [dreg:$0x4]  }
0x15: {  	[tilespmem:s3], [sflag:$0x2] =	stream.linear.gather [hbm4b:s12+s3], $0x100, $0x38;
	[tilespmem:$0x18100] =	vst v63  }
0x16: {  	_ =	swait.ge [sflag:s8], $0x100  }
0x17: {  	[sflag:s8] =	ssyncset.done $0x0  }
0x18: {  	[sflag:s8] =	ssyncadd.s32 $0xFFFFFF00  }
0x19: {  	v3 =	vld [tilespmem:$0x0];
	_ =	sdelay $0x4  }
0x1a: {  	v4 =	vshrl.u32 v3, $0x3  }
0x1b: {  	v4 =	vmul.u32 $0x30, v4  }
0x1c: {  	v3 =	vand.u32 $0x7, v3  }
0x1d: {  	v3 =	vor.u32 v3, v4  }
0x1e: {  	v4 =	vperm.xlane v3, v0;
	_ =	sdelay $0x1  }
0x1f: {  	v4 =	vadd.s32 v1, v4;
	_ =	sdelay $0x3  }
0x20: {  	v3 =	vperm.xlane v3, v2  }
0x21: {  	[tilespmem:s10], [sflag:$0x1] =	stream.indirect_vreg.gather [hbm4b:s1+s3], $0x80, v4, vm0, $0xb8;
	[tilespmem:$0x18100] =	vst v63  }
0x22: {  	v3 =	vadd.s32 v1, v3  }
0x23: {  	[tilespmem:s13], [sflag:$0x1] =	stream.indirect_vreg.gather [hbm4b:s5+s3], $0x80, v4, vm0, $0xb8;
	[tilespmem:$0x18100] =	vst v63  }
0x24: {  	_ = 	snop  }
0x25: {  	[tilespmem:s14], [sflag:$0x1] =	stream.indirect_vreg.gather [hbm4b:s6+s3], $0x80, v4, vm0, $0xb8;
	[tilespmem:$0x18100] =	vst v63  }
0x26: {  	_ = 	snop  }
0x27: {  	[tilespmem:s15], [sflag:$0x1] =	stream.indirect_vreg.gather [hbm4b:s1+s3], $0x80, v3, vm0, $0xb8;
	[tilespmem:$0x18100] =	vst v63  }
0x28: {  	_ = 	snop  }
0x29: {  	[tilespmem:s16], [sflag:$0x1] =	stream.indirect_vreg.gather [hbm4b:s5+s3], $0x80, v3, vm0, $0xb8;
	[tilespmem:$0x18100] =	vst v63  }
0x2a: {  	_ = 	snop  }
0x2b: {  	[tilespmem:s17], [sflag:$0x1] =	stream.indirect_vreg.gather [hbm4b:s6+s3], $0x80, v3, vm0, $0xb8;
	[tilespmem:$0x18100] =	vst v63  }
0x2c: {  	v3 =	vld [tilespmem:$0x10];
	_ =	sdelay $0x4  }
0x2d: {  	v49 =	vshrl.u32 v3, $0x3  }
0x2e: {  	v4 =	vmul.u32 $0x30, v49  }
0x2f: {  	v3 =	vand.u32 $0x7, v3  }
0x30: {  	v3 =	vor.u32 v3, v4  }
0x31: {  	v4 =	vperm.xlane v3, v0;
	_ =	sdelay $0x1  }
0x32: {  	v4 =	vadd.s32 v1, v4;
	_ =	sdelay $0x3  }
0x33: {  	v3 =	vperm.xlane v3, v2  }
0x34: {  	[tilespmem:s18], [sflag:$0x1] =	stream.indirect_vreg.gather [hbm4b:s1+s3], $0x80, v4, vm0, $0xb8;
	[tilespmem:$0x18100] =	vst v63  }
0x35: {  	v3 =	vadd.s32 v1, v3  }
0x36: {  	[tilespmem:s19], [sflag:$0x1] =	stream.indirect_vreg.gather [hbm4b:s5+s3], $0x80, v4, vm0, $0xb8;
	[tilespmem:$0x18100] =	vst v63  }
0x37: {  	_ = 	snop  }
0x38: {  	[tilespmem:s20], [sflag:$0x1] =	stream.indirect_vreg.gather [hbm4b:s6+s3], $0x80, v4, vm0, $0xb8;
	[tilespmem:$0x18100] =	vst v63  }
0x39: {  	_ = 	snop  }
0x3a: {  	[tilespmem:s21], [sflag:$0x1] =	stream.indirect_vreg.gather [hbm4b:s1+s3], $0x80, v3, vm0, $0xb8;
	[tilespmem:$0x18100] =	vst v63  }
0x3b: {  	_ = 	snop  }
0x3c: {  	[tilespmem:s22], [sflag:$0x1] =	stream.indirect_vreg.gather [hbm4b:s5+s3], $0x80, v3, vm0, $0xb8;
	[tilespmem:$0x18100] =	vst v63  }
0x3d: {  	_ = 	snop  }
0x3e: {  	[tilespmem:s23], [sflag:$0x1] =	stream.indirect_vreg.gather [hbm4b:s6+s3], $0x80, v3, vm0, $0xb8;
	[tilespmem:$0x18100] =	vst v63  }
0x3f: {  	v3 =	vld [tilespmem:$0x20];
	_ =	sdelay $0x4  }
0x40: {  	v50 =	vshrl.u32 v3, $0x3  }
0x41: {  	v4 =	vmul.u32 $0x30, v50  }
0x42: {  	v3 =	vand.u32 $0x7, v3  }
0x43: {  	v3 =	vor.u32 v3, v4  }
0x44: {  	v4 =	vperm.xlane v3, v0;
	_ =	sdelay $0x1  }
0x45: {  	v4 =	vadd.s32 v1, v4;
	_ =	sdelay $0x3  }
0x46: {  	v3 =	vperm.xlane v3, v2  }
0x47: {  	[tilespmem:s24], [sflag:$0x1] =	stream.indirect_vreg.gather [hbm4b:s1+s3], $0x80, v4, vm0, $0xb8;
	[tilespmem:$0x18100] =	vst v63  }
0x48: {  	v3 =	vadd.s32 v1, v3  }
0x49: {  	[tilespmem:s25], [sflag:$0x1] =	stream.indirect_vreg.gather [hbm4b:s5+s3], $0x80, v4, vm0, $0xb8;
	[tilespmem:$0x18100] =	vst v63  }
0x4a: {  	_ = 	snop  }
0x4b: {  	[tilespmem:s26], [sflag:$0x1] =	stream.indirect_vreg.gather [hbm4b:s6+s3], $0x80, v4, vm0, $0xb8;
	[tilespmem:$0x18100] =	vst v63  }
0x4c: {  	_ = 	snop  }
0x4d: {  	[tilespmem:s28], [sflag:$0x1] =	stream.indirect_vreg.gather [hbm4b:s1+s3], $0x80, v3, vm0, $0xb8;
	[tilespmem:$0x18100] =	vst v63  }
0x4e: {  	_ = 	snop  }
0x4f: {  	[tilespmem:s29], [sflag:$0x1] =	stream.indirect_vreg.gather [hbm4b:s5+s3], $0x80, v3, vm0, $0xb8;
	[tilespmem:$0x18100] =	vst v63  }
0x50: {  	_ = 	snop  }
0x51: {  	[tilespmem:s30], [sflag:$0x1] =	stream.indirect_vreg.gather [hbm4b:s6+s3], $0x80, v3, vm0, $0xb8;
	[tilespmem:$0x18100] =	vst v63  }
0x52: {  	v3 =	vld [tilespmem:$0x30];
	_ =	sdelay $0x4  }
0x53: {  	v51 =	vshrl.u32 v3, $0x3  }
0x54: {  	v4 =	vmul.u32 $0x30, v51  }
0x55: {  	v3 =	vand.u32 $0x7, v3  }
0x56: {  	v3 =	vor.u32 v3, v4  }
0x57: {  	v4 =	vperm.xlane v3, v0;
	_ =	sdelay $0x1  }
0x58: {  	v4 =	vadd.s32 v1, v4;
	_ =	sdelay $0x3  }
0x59: {  	v3 =	vperm.xlane v3, v2  }
0x5a: {  	[tilespmem:s31], [sflag:$0x1] =	stream.indirect_vreg.gather [hbm4b:s1+s3], $0x80, v4, vm0, $0xb8;
	[tilespmem:$0x18100] =	vst v63  }
0x5b: {  	s2 =	simm.s32 $0x9900;
	v3 =	vadd.s32 v1, v3  }
0x5c: {  	[tilespmem:s2], [sflag:$0x1] =	stream.indirect_vreg.gather [hbm4b:s5+s3], $0x80, v4, vm0, $0xb8;
	[tilespmem:$0x18100] =	vst v63  }
0x5d: {  	s0 =	simm.s32 $0xA100  }
0x5e: {  	[tilespmem:s0], [sflag:$0x1] =	stream.indirect_vreg.gather [hbm4b:s6+s3], $0x80, v4, vm0, $0xb8;
	[tilespmem:$0x18100] =	vst v63  }
0x5f: {  	_ = 	snop  }
0x60: {  	[tilespmem:s11], [sflag:$0x1] =	stream.indirect_vreg.gather [hbm4b:s1+s3], $0x80, v3, vm0, $0xb8;
	[tilespmem:$0x18100] =	vst v63  }
0x61: {  	_ = 	snop  }
0x62: {  	[tilespmem:s9], [sflag:$0x1] =	stream.indirect_vreg.gather [hbm4b:s5+s3], $0x80, v3, vm0, $0xb8;
	[tilespmem:$0x18100] =	vst v63  }
0x63: {  	s12 =	simm.s32 $0xB900  }
0x64: {  	[tilespmem:s12], [sflag:$0x1] =	stream.indirect_vreg.gather [hbm4b:s6+s3], $0x80, v3, vm0, $0xb8;
	[tilespmem:$0x18100] =	vst v63  }
0x65: {  	_ =	swait.ge [sflag:s4], $0xC000  }
0x66: {  	[sflag:s4] =	ssyncset.done $0x0  }
0x67: {  	s0 =	rddreg [dreg:$0x8];
	[sflag:s4] =	ssyncadd.s32 $0xFFFF4000  }
0x68: {  	[hbm4b:s0+s3] =	stream.linear.scatter [tilespmem:s10], [sflag:$0x2], $0xC000, $0x38;
	[tilespmem:$0x18100] =	vst v63  }
0x69: {  	_ =	swait.ge [sflag:s8], $0xC000  }
0x6a: {  	[sflag:s8] =	ssyncset.done $0x0  }
0x6b: {  	[sflag:s8] =	ssyncadd.s32 $0xFFFF4000  }
0x6c: {  	v3 =	vld [tilespmem:$0x40];
	_ =	sdelay $0x4  }
0x6d: {  	v52 =	vshrl.u32 v3, $0x3  }
0x6e: {  	v4 =	vmul.u32 $0x30, v52  }
0x6f: {  	v3 =	vand.u32 $0x7, v3  }
0x70: {  	v3 =	vor.u32 v3, v4  }
0x71: {  	v4 =	vperm.xlane v3, v0;
	_ =	sdelay $0x1  }
0x72: {  	v4 =	vadd.s32 v1, v4;
	_ =	sdelay $0x3  }
0x73: {  	s0 =	simm.s32 $0xC100;
	v3 =	vperm.xlane v3, v2  }
0x74: {  	[tilespmem:s0], [sflag:$0x1] =	stream.indirect_vreg.gather [hbm4b:s1+s3], $0x80, v4, vm0, $0xb8;
	[tilespmem:$0x18100] =	vst v63  }
0x75: {  	s12 =	simm.s32 $0xC900;
	v3 =	vadd.s32 v1, v3  }
0x76: {  	[tilespmem:s12], [sflag:$0x1] =	stream.indirect_vreg.gather [hbm4b:s5+s3], $0x80, v4, vm0, $0xb8;
	[tilespmem:$0x18100] =	vst v63  }
0x77: {  	s12 =	simm.s32 $0xD100  }
0x78: {  	[tilespmem:s12], [sflag:$0x1] =	stream.indirect_vreg.gather [hbm4b:s6+s3], $0x80, v4, vm0, $0xb8;
	[tilespmem:$0x18100] =	vst v63  }
0x79: {  	s12 =	simm.s32 $0xD900  }
0x7a: {  	[tilespmem:s12], [sflag:$0x1] =	stream.indirect_vreg.gather [hbm4b:s1+s3], $0x80, v3, vm0, $0xb8;
	[tilespmem:$0x18100] =	vst v63  }
0x7b: {  	s12 =	simm.s32 $0xE100  }
0x7c: {  	[tilespmem:s12], [sflag:$0x1] =	stream.indirect_vreg.gather [hbm4b:s5+s3], $0x80, v3, vm0, $0xb8;
	[tilespmem:$0x18100] =	vst v63  }
0x7d: {  	s12 =	simm.s32 $0xE900  }
0x7e: {  	[tilespmem:s12], [sflag:$0x1] =	stream.indirect_vreg.gather [hbm4b:s6+s3], $0x80, v3, vm0, $0xb8;
	[tilespmem:$0x18100] =	vst v63  }
0x7f: {  	v3 =	vld [tilespmem:$0x50];
	_ =	sdelay $0x4  }
0x80: {  	v53 =	vshrl.u32 v3, $0x3  }
0x81: {  	v4 =	vmul.u32 $0x30, v53  }
0x82: {  	v3 =	vand.u32 $0x7, v3  }
0x83: {  	v3 =	vor.u32 v3, v4  }
0x84: {  	v4 =	vperm.xlane v3, v0;
	_ =	sdelay $0x1  }
0x85: {  	v4 =	vadd.s32 v1, v4;
	_ =	sdelay $0x3  }
0x86: {  	s12 =	simm.s32 $0xF100;
	v3 =	vperm.xlane v3, v2  }
0x87: {  	[tilespmem:s12], [sflag:$0x1] =	stream.indirect_vreg.gather [hbm4b:s1+s3], $0x80, v4, vm0, $0xb8;
	[tilespmem:$0x18100] =	vst v63  }
0x88: {  	v3 =	vadd.s32 v1, v3;
	s12 =	simm.s32 $0xF900  }
0x89: {  	[tilespmem:s12], [sflag:$0x1] =	stream.indirect_vreg.gather [hbm4b:s5+s3], $0x80, v4, vm0, $0xb8;
	[tilespmem:$0x18100] =	vst v63  }
0x8a: {  	s12 =	simm.s32 $0x10100  }
0x8b: {  	[tilespmem:s12], [sflag:$0x1] =	stream.indirect_vreg.gather [hbm4b:s6+s3], $0x80, v4, vm0, $0xb8;
	[tilespmem:$0x18100] =	vst v63  }
0x8c: {  	s12 =	simm.s32 $0x10900  }
0x8d: {  	[tilespmem:s12], [sflag:$0x1] =	stream.indirect_vreg.gather [hbm4b:s1+s3], $0x80, v3, vm0, $0xb8;
	[tilespmem:$0x18100] =	vst v63  }
0x8e: {  	s12 =	simm.s32 $0x11100  }
0x8f: {  	[tilespmem:s12], [sflag:$0x1] =	stream.indirect_vreg.gather [hbm4b:s5+s3], $0x80, v3, vm0, $0xb8;
	[tilespmem:$0x18100] =	vst v63  }
0x90: {  	s12 =	simm.s32 $0x11900  }
0x91: {  	[tilespmem:s12], [sflag:$0x1] =	stream.indirect_vreg.gather [hbm4b:s6+s3], $0x80, v3, vm0, $0xb8;
	[tilespmem:$0x18100] =	vst v63  }
0x92: {  	v3 =	vld [tilespmem:$0x60];
	_ =	sdelay $0x4  }
0x93: {  	v54 =	vshrl.u32 v3, $0x3  }
0x94: {  	v4 =	vmul.u32 $0x30, v54  }
0x95: {  	v3 =	vand.u32 $0x7, v3  }
0x96: {  	v3 =	vor.u32 v3, v4  }
0x97: {  	v4 =	vperm.xlane v3, v0;
	_ =	sdelay $0x1  }
0x98: {  	v4 =	vadd.s32 v1, v4;
	_ =	sdelay $0x3  }
0x99: {  	s12 =	simm.s32 $0x12100;
	v3 =	vperm.xlane v3, v2  }
0x9a: {  	[tilespmem:s12], [sflag:$0x1] =	stream.indirect_vreg.gather [hbm4b:s1+s3], $0x80, v4, vm0, $0xb8;
	[tilespmem:$0x18100] =	vst v63  }
0x9b: {  	v3 =	vadd.s32 v1, v3;
	s12 =	simm.s32 $0x12900  }
0x9c: {  	[tilespmem:s12], [sflag:$0x1] =	stream.indirect_vreg.gather [hbm4b:s5+s3], $0x80, v4, vm0, $0xb8;
	[tilespmem:$0x18100] =	vst v63  }
0x9d: {  	s12 =	simm.s32 $0x13100  }
0x9e: {  	[tilespmem:s12], [sflag:$0x1] =	stream.indirect_vreg.gather [hbm4b:s6+s3], $0x80, v4, vm0, $0xb8;
	[tilespmem:$0x18100] =	vst v63  }
0x9f: {  	s12 =	simm.s32 $0x13900  }
0xa0: {  	[tilespmem:s12], [sflag:$0x1] =	stream.indirect_vreg.gather [hbm4b:s1+s3], $0x80, v3, vm0, $0xb8;
	[tilespmem:$0x18100] =	vst v63  }
0xa1: {  	s12 =	simm.s32 $0x14100  }
0xa2: {  	[tilespmem:s12], [sflag:$0x1] =	stream.indirect_vreg.gather [hbm4b:s5+s3], $0x80, v3, vm0, $0xb8;
	[tilespmem:$0x18100] =	vst v63  }
0xa3: {  	s12 =	simm.s32 $0x14900  }
0xa4: {  	[tilespmem:s12], [sflag:$0x1] =	stream.indirect_vreg.gather [hbm4b:s6+s3], $0x80, v3, vm0, $0xb8;
	[tilespmem:$0x18100] =	vst v63  }
0xa5: {  	v3 =	vld [tilespmem:$0x70];
	_ =	sdelay $0x4  }
0xa6: {  	v55 =	vshrl.u32 v3, $0x3  }
0xa7: {  	v4 =	vmul.u32 $0x30, v55  }
0xa8: {  	v3 =	vand.u32 $0x7, v3  }
0xa9: {  	v3 =	vor.u32 v3, v4  }
0xaa: {  	v4 =	vperm.xlane v3, v0;
	_ =	sdelay $0x1  }
0xab: {  	v4 =	vadd.s32 v1, v4;
	_ =	sdelay $0x3  }
0xac: {  	s12 =	simm.s32 $0x15100;
	v3 =	vperm.xlane v3, v2  }
0xad: {  	[tilespmem:s12], [sflag:$0x1] =	stream.indirect_vreg.gather [hbm4b:s1+s3], $0x80, v4, vm0, $0xb8;
	[tilespmem:$0x18100] =	vst v63  }
0xae: {  	v3 =	vadd.s32 v1, v3;
	s12 =	simm.s32 $0x15900  }
0xaf: {  	[tilespmem:s12], [sflag:$0x1] =	stream.indirect_vreg.gather [hbm4b:s5+s3], $0x80, v4, vm0, $0xb8;
	[tilespmem:$0x18100] =	vst v63  }
0xb0: {  	s12 =	simm.s32 $0x16100  }
0xb1: {  	[tilespmem:s12], [sflag:$0x1] =	stream.indirect_vreg.gather [hbm4b:s6+s3], $0x80, v4, vm0, $0xb8;
	[tilespmem:$0x18100] =	vst v63  }
0xb2: {  	s12 =	simm.s32 $0x16900  }
0xb3: {  	[tilespmem:s12], [sflag:$0x1] =	stream.indirect_vreg.gather [hbm4b:s1+s3], $0x80, v3, vm0, $0xb8;
	[tilespmem:$0x18100] =	vst v63  }
0xb4: {  	s12 =	simm.s32 $0x17100  }
0xb5: {  	[tilespmem:s12], [sflag:$0x1] =	stream.indirect_vreg.gather [hbm4b:s5+s3], $0x80, v3, vm0, $0xb8;
	[tilespmem:$0x18100] =	vst v63  }
0xb6: {  	s12 =	simm.s32 $0x17900  }
0xb7: {  	[tilespmem:s12], [sflag:$0x1] =	stream.indirect_vreg.gather [hbm4b:s6+s3], $0x80, v3, vm0, $0xb8;
	[tilespmem:$0x18100] =	vst v63  }
0xb8: {  	_ =	swait.ge [sflag:s4], $0xC000  }
0xb9: {  	[sflag:s4] =	ssyncset.done $0x0  }
0xba: {  	s12 =	rddreg [dreg:$0x5];
	[sflag:s4] =	ssyncadd.s32 $0xFFFF4000  }
0xbb: {  	[hbm4b:s12+s3] =	stream.linear.scatter [tilespmem:s0], [sflag:$0x2], $0xC000, $0x38;
	[tilespmem:$0x18100] =	vst v63  }
0xbc: {  	_ =	swait.ge [sflag:s8], $0xC000  }
0xbd: {  	[sflag:s8] =	ssyncset.done $0x0  }
0xbe: {  	[sflag:s8] =	ssyncadd.s32 $0xFFFF4000  }
0xbf: {  	v3 =	vld [tilespmem:$0x80];
	_ =	sdelay $0x4  }
0xc0: {  	v56 =	vshrl.u32 v3, $0x3  }
0xc1: {  	v4 =	vmul.u32 $0x30, v56  }
0xc2: {  	v3 =	vand.u32 $0x7, v3  }
0xc3: {  	v3 =	vor.u32 v3, v4  }
0xc4: {  	v4 =	vperm.xlane v3, v0;
	_ =	sdelay $0x1  }
0xc5: {  	v4 =	vadd.s32 v1, v4;
	_ =	sdelay $0x3  }
0xc6: {  	v3 =	vperm.xlane v3, v2  }
0xc7: {  	[tilespmem:s10], [sflag:$0x1] =	stream.indirect_vreg.gather [hbm4b:s1+s3], $0x80, v4, vm0, $0xb8;
	[tilespmem:$0x18100] =	vst v63  }
0xc8: {  	v3 =	vadd.s32 v1, v3  }
0xc9: {  	[tilespmem:s13], [sflag:$0x1] =	stream.indirect_vreg.gather [hbm4b:s5+s3], $0x80, v4, vm0, $0xb8;
	[tilespmem:$0x18100] =	vst v63  }
0xca: {  	_ = 	snop  }
0xcb: {  	[tilespmem:s14], [sflag:$0x1] =	stream.indirect_vreg.gather [hbm4b:s6+s3], $0x80, v4, vm0, $0xb8;
	[tilespmem:$0x18100] =	vst v63  }
0xcc: {  	_ = 	snop  }
0xcd: {  	[tilespmem:s15], [sflag:$0x1] =	stream.indirect_vreg.gather [hbm4b:s1+s3], $0x80, v3, vm0, $0xb8;
	[tilespmem:$0x18100] =	vst v63  }
0xce: {  	_ = 	snop  }
0xcf: {  	[tilespmem:s16], [sflag:$0x1] =	stream.indirect_vreg.gather [hbm4b:s5+s3], $0x80, v3, vm0, $0xb8;
	[tilespmem:$0x18100] =	vst v63  }
0xd0: {  	_ = 	snop  }
0xd1: {  	[tilespmem:s17], [sflag:$0x1] =	stream.indirect_vreg.gather [hbm4b:s6+s3], $0x80, v3, vm0, $0xb8;
	[tilespmem:$0x18100] =	vst v63  }
0xd2: {  	v3 =	vld [tilespmem:$0x90];
	_ =	sdelay $0x4  }
0xd3: {  	v57 =	vshrl.u32 v3, $0x3  }
0xd4: {  	v4 =	vmul.u32 $0x30, v57  }
0xd5: {  	v3 =	vand.u32 $0x7, v3  }
0xd6: {  	v3 =	vor.u32 v3, v4  }
0xd7: {  	v4 =	vperm.xlane v3, v0;
	_ =	sdelay $0x1  }
0xd8: {  	v4 =	vadd.s32 v1, v4;
	_ =	sdelay $0x3  }
0xd9: {  	v3 =	vperm.xlane v3, v2  }
0xda: {  	[tilespmem:s18], [sflag:$0x1] =	stream.indirect_vreg.gather [hbm4b:s1+s3], $0x80, v4, vm0, $0xb8;
	[tilespmem:$0x18100] =	vst v63  }
0xdb: {  	v3 =	vadd.s32 v1, v3  }
0xdc: {  	[tilespmem:s19], [sflag:$0x1] =	stream.indirect_vreg.gather [hbm4b:s5+s3], $0x80, v4, vm0, $0xb8;
	[tilespmem:$0x18100] =	vst v63  }
0xdd: {  	_ = 	snop  }
0xde: {  	[tilespmem:s20], [sflag:$0x1] =	stream.indirect_vreg.gather [hbm4b:s6+s3], $0x80, v4, vm0, $0xb8;
	[tilespmem:$0x18100] =	vst v63  }
0xdf: {  	_ = 	snop  }
0xe0: {  	[tilespmem:s21], [sflag:$0x1] =	stream.indirect_vreg.gather [hbm4b:s1+s3], $0x80, v3, vm0, $0xb8;
	[tilespmem:$0x18100] =	vst v63  }
0xe1: {  	_ = 	snop  }
0xe2: {  	[tilespmem:s22], [sflag:$0x1] =	stream.indirect_vreg.gather [hbm4b:s5+s3], $0x80, v3, vm0, $0xb8;
	[tilespmem:$0x18100] =	vst v63  }
0xe3: {  	_ = 	snop  }
0xe4: {  	[tilespmem:s23], [sflag:$0x1] =	stream.indirect_vreg.gather [hbm4b:s6+s3], $0x80, v3, vm0, $0xb8;
	[tilespmem:$0x18100] =	vst v63  }
0xe5: {  	v3 =	vld [tilespmem:$0xA0];
	_ =	sdelay $0x4  }
0xe6: {  	v58 =	vshrl.u32 v3, $0x3  }
0xe7: {  	v4 =	vmul.u32 $0x30, v58  }
0xe8: {  	v3 =	vand.u32 $0x7, v3  }
0xe9: {  	v3 =	vor.u32 v3, v4  }
0xea: {  	v4 =	vperm.xlane v3, v0;
	_ =	sdelay $0x1  }
0xeb: {  	v4 =	vadd.s32 v1, v4;
	_ =	sdelay $0x3  }
0xec: {  	v3 =	vperm.xlane v3, v2  }
0xed: {  	[tilespmem:s24], [sflag:$0x1] =	stream.indirect_vreg.gather [hbm4b:s1+s3], $0x80, v4, vm0, $0xb8;
	[tilespmem:$0x18100] =	vst v63  }
0xee: {  	v3 =	vadd.s32 v1, v3  }
0xef: {  	[tilespmem:s25], [sflag:$0x1] =	stream.indirect_vreg.gather [hbm4b:s5+s3], $0x80, v4, vm0, $0xb8;
	[tilespmem:$0x18100] =	vst v63  }
0xf0: {  	_ = 	snop  }
0xf1: {  	[tilespmem:s26], [sflag:$0x1] =	stream.indirect_vreg.gather [hbm4b:s6+s3], $0x80, v4, vm0, $0xb8;
	[tilespmem:$0x18100] =	vst v63  }
0xf2: {  	_ = 	snop  }
0xf3: {  	[tilespmem:s28], [sflag:$0x1] =	stream.indirect_vreg.gather [hbm4b:s1+s3], $0x80, v3, vm0, $0xb8;
	[tilespmem:$0x18100] =	vst v63  }
0xf4: {  	_ = 	snop  }
0xf5: {  	[tilespmem:s29], [sflag:$0x1] =	stream.indirect_vreg.gather [hbm4b:s5+s3], $0x80, v3, vm0, $0xb8;
	[tilespmem:$0x18100] =	vst v63  }
0xf6: {  	_ = 	snop  }
0xf7: {  	[tilespmem:s30], [sflag:$0x1] =	stream.indirect_vreg.gather [hbm4b:s6+s3], $0x80, v3, vm0, $0xb8;
	[tilespmem:$0x18100] =	vst v63  }
0xf8: {  	v3 =	vld [tilespmem:$0xB0];
	_ =	sdelay $0x4  }
0xf9: {  	v59 =	vshrl.u32 v3, $0x3  }
0xfa: {  	v4 =	vmul.u32 $0x30, v59  }
0xfb: {  	v3 =	vand.u32 $0x7, v3  }
0xfc: {  	v3 =	vor.u32 v3, v4  }
0xfd: {  	v4 =	vperm.xlane v3, v0;
	_ =	sdelay $0x1  }
0xfe: {  	v4 =	vadd.s32 v1, v4;
	_ =	sdelay $0x3  }
0xff: {  	v3 =	vperm.xlane v3, v2  }
0x100: {  	[tilespmem:s31], [sflag:$0x1] =	stream.indirect_vreg.gather [hbm4b:s1+s3], $0x80, v4, vm0, $0xb8;
	[tilespmem:$0x18100] =	vst v63  }
0x101: {  	v3 =	vadd.s32 v1, v3  }
0x102: {  	[tilespmem:s2], [sflag:$0x1] =	stream.indirect_vreg.gather [hbm4b:s5+s3], $0x80, v4, vm0, $0xb8;
	[tilespmem:$0x18100] =	vst v63  }
0x103: {  	s12 =	simm.s32 $0xA100  }
0x104: {  	[tilespmem:s12], [sflag:$0x1] =	stream.indirect_vreg.gather [hbm4b:s6+s3], $0x80, v4, vm0, $0xb8;
	[tilespmem:$0x18100] =	vst v63  }
0x105: {  	_ = 	snop  }
0x106: {  	[tilespmem:s11], [sflag:$0x1] =	stream.indirect_vreg.gather [hbm4b:s1+s3], $0x80, v3, vm0, $0xb8;
	[tilespmem:$0x18100] =	vst v63  }
0x107: {  	_ = 	snop  }
0x108: {  	[tilespmem:s9], [sflag:$0x1] =	stream.indirect_vreg.gather [hbm4b:s5+s3], $0x80, v3, vm0, $0xb8;
	[tilespmem:$0x18100] =	vst v63  }
0x109: {  	s12 =	simm.s32 $0xB900  }
0x10a: {  	[tilespmem:s12], [sflag:$0x1] =	stream.indirect_vreg.gather [hbm4b:s6+s3], $0x80, v3, vm0, $0xb8;
	[tilespmem:$0x18100] =	vst v63  }
0x10b: {  	_ =	swait.ge [sflag:s4], $0xC000  }
0x10c: {  	[sflag:s4] =	ssyncset.done $0x0  }
0x10d: {  	s2 =	rddreg [dreg:$0x6];
	[sflag:s4] =	ssyncadd.s32 $0xFFFF4000  }
0x10e: {  	[hbm4b:s2+s3] =	stream.linear.scatter [tilespmem:s10], [sflag:$0x2], $0xC000, $0x38;
	[tilespmem:$0x18100] =	vst v63  }
0x10f: {  	_ =	swait.ge [sflag:s8], $0xC000  }
0x110: {  	[sflag:s8] =	ssyncset.done $0x0  }
0x111: {  	[sflag:s8] =	ssyncadd.s32 $0xFFFF4000  }
0x112: {  	v3 =	vld [tilespmem:$0xC0];
	_ =	sdelay $0x4  }
0x113: {  	v60 =	vshrl.u32 v3, $0x3  }
0x114: {  	v4 =	vmul.u32 $0x30, v60  }
0x115: {  	v3 =	vand.u32 $0x7, v3  }
0x116: {  	v3 =	vor.u32 v3, v4  }
0x117: {  	v4 =	vperm.xlane v3, v0;
	_ =	sdelay $0x1  }
0x118: {  	v4 =	vadd.s32 v1, v4;
	_ =	sdelay $0x3  }
0x119: {  	v3 =	vperm.xlane v3, v2  }
0x11a: {  	[tilespmem:s0], [sflag:$0x1] =	stream.indirect_vreg.gather [hbm4b:s1+s3], $0x80, v4, vm0, $0xb8;
	[tilespmem:$0x18100] =	vst v63  }
0x11b: {  	s12 =	simm.s32 $0xC900;
	v3 =	vadd.s32 v1, v3  }
0x11c: {  	[tilespmem:s12], [sflag:$0x1] =	stream.indirect_vreg.gather [hbm4b:s5+s3], $0x80, v4, vm0, $0xb8;
	[tilespmem:$0x18100] =	vst v63  }
0x11d: {  	s12 =	simm.s32 $0xD100  }
0x11e: {  	[tilespmem:s12], [sflag:$0x1] =	stream.indirect_vreg.gather [hbm4b:s6+s3], $0x80, v4, vm0, $0xb8;
	[tilespmem:$0x18100] =	vst v63  }
0x11f: {  	s12 =	simm.s32 $0xD900  }
0x120: {  	[tilespmem:s12], [sflag:$0x1] =	stream.indirect_vreg.gather [hbm4b:s1+s3], $0x80, v3, vm0, $0xb8;
	[tilespmem:$0x18100] =	vst v63  }
0x121: {  	s12 =	simm.s32 $0xE100  }
0x122: {  	[tilespmem:s12], [sflag:$0x1] =	stream.indirect_vreg.gather [hbm4b:s5+s3], $0x80, v3, vm0, $0xb8;
	[tilespmem:$0x18100] =	vst v63  }
0x123: {  	s12 =	simm.s32 $0xE900  }
0x124: {  	[tilespmem:s12], [sflag:$0x1] =	stream.indirect_vreg.gather [hbm4b:s6+s3], $0x80, v3, vm0, $0xb8;
	[tilespmem:$0x18100] =	vst v63  }
0x125: {  	v3 =	vld [tilespmem:$0xD0];
	_ =	sdelay $0x4  }
0x126: {  	v61 =	vshrl.u32 v3, $0x3  }
0x127: {  	v4 =	vmul.u32 $0x30, v61  }
0x128: {  	v3 =	vand.u32 $0x7, v3  }
0x129: {  	v3 =	vor.u32 v3, v4  }
0x12a: {  	v4 =	vperm.xlane v3, v0;
	_ =	sdelay $0x1  }
0x12b: {  	v4 =	vadd.s32 v1, v4;
	_ =	sdelay $0x3  }
0x12c: {  	s12 =	simm.s32 $0xF100;
	v3 =	vperm.xlane v3, v2  }
0x12d: {  	[tilespmem:s12], [sflag:$0x1] =	stream.indirect_vreg.gather [hbm4b:s1+s3], $0x80, v4, vm0, $0xb8;
	[tilespmem:$0x18100] =	vst v63  }
0x12e: {  	v3 =	vadd.s32 v1, v3;
	s12 =	simm.s32 $0xF900  }
0x12f: {  	[tilespmem:s12], [sflag:$0x1] =	stream.indirect_vreg.gather [hbm4b:s5+s3], $0x80, v4, vm0, $0xb8;
	[tilespmem:$0x18100] =	vst v63  }
0x130: {  	s12 =	simm.s32 $0x10100  }
0x131: {  	[tilespmem:s12], [sflag:$0x1] =	stream.indirect_vreg.gather [hbm4b:s6+s3], $0x80, v4, vm0, $0xb8;
	[tilespmem:$0x18100] =	vst v63  }
0x132: {  	s12 =	simm.s32 $0x10900  }
0x133: {  	[tilespmem:s12], [sflag:$0x1] =	stream.indirect_vreg.gather [hbm4b:s1+s3], $0x80, v3, vm0, $0xb8;
	[tilespmem:$0x18100] =	vst v63  }
0x134: {  	s12 =	simm.s32 $0x11100  }
0x135: {  	[tilespmem:s12], [sflag:$0x1] =	stream.indirect_vreg.gather [hbm4b:s5+s3], $0x80, v3, vm0, $0xb8;
	[tilespmem:$0x18100] =	vst v63  }
0x136: {  	s12 =	simm.s32 $0x11900  }
0x137: {  	[tilespmem:s12], [sflag:$0x1] =	stream.indirect_vreg.gather [hbm4b:s6+s3], $0x80, v3, vm0, $0xb8;
	[tilespmem:$0x18100] =	vst v63  }
0x138: {  	v3 =	vld [tilespmem:$0xE0];
	_ =	sdelay $0x4  }
0x139: {  	v62 =	vshrl.u32 v3, $0x3  }
0x13a: {  	v4 =	vmul.u32 $0x30, v62  }
0x13b: {  	v3 =	vand.u32 $0x7, v3  }
0x13c: {  	v3 =	vor.u32 v3, v4  }
0x13d: {  	v4 =	vperm.xlane v3, v0;
	_ =	sdelay $0x1  }
0x13e: {  	v4 =	vadd.s32 v1, v4;
	_ =	sdelay $0x3  }
0x13f: {  	s12 =	simm.s32 $0x12100;
	v3 =	vperm.xlane v3, v2  }
0x140: {  	[tilespmem:s12], [sflag:$0x1] =	stream.indirect_vreg.gather [hbm4b:s1+s3], $0x80, v4, vm0, $0xb8;
	[tilespmem:$0x18100] =	vst v63  }
0x141: {  	v3 =	vadd.s32 v1, v3;
	s12 =	simm.s32 $0x12900  }
0x142: {  	[tilespmem:s12], [sflag:$0x1] =	stream.indirect_vreg.gather [hbm4b:s5+s3], $0x80, v4, vm0, $0xb8;
	[tilespmem:$0x18100] =	vst v63  }
0x143: {  	s12 =	simm.s32 $0x13100  }
0x144: {  	[tilespmem:s12], [sflag:$0x1] =	stream.indirect_vreg.gather [hbm4b:s6+s3], $0x80, v4, vm0, $0xb8;
	[tilespmem:$0x18100] =	vst v63  }
0x145: {  	s12 =	simm.s32 $0x13900  }
0x146: {  	[tilespmem:s12], [sflag:$0x1] =	stream.indirect_vreg.gather [hbm4b:s1+s3], $0x80, v3, vm0, $0xb8;
	[tilespmem:$0x18100] =	vst v63  }
0x147: {  	s12 =	simm.s32 $0x14100  }
0x148: {  	[tilespmem:s12], [sflag:$0x1] =	stream.indirect_vreg.gather [hbm4b:s5+s3], $0x80, v3, vm0, $0xb8;
	[tilespmem:$0x18100] =	vst v63  }
0x149: {  	s12 =	simm.s32 $0x14900  }
0x14a: {  	[tilespmem:s12], [sflag:$0x1] =	stream.indirect_vreg.gather [hbm4b:s6+s3], $0x80, v3, vm0, $0xb8;
	[tilespmem:$0x18100] =	vst v63  }
0x14b: {  	v3 =	vld [tilespmem:$0xF0];
	_ =	sdelay $0x4  }
0x14c: {  	v63 =	vshrl.u32 v3, $0x3  }
0x14d: {  	v4 =	vmul.u32 $0x30, v63  }
0x14e: {  	v3 =	vand.u32 $0x7, v3  }
0x14f: {  	v3 =	vor.u32 v3, v4  }
0x150: {  	v4 =	vperm.xlane v3, v0;
	_ =	sdelay $0x1  }
0x151: {  	v4 =	vadd.s32 v1, v4;
	_ =	sdelay $0x3  }
0x152: {  	s12 =	simm.s32 $0x15100;
	v3 =	vperm.xlane v3, v2  }
0x153: {  	[tilespmem:s12], [sflag:$0x1] =	stream.indirect_vreg.gather [hbm4b:s1+s3], $0x80, v4, vm0, $0xb8;
	[tilespmem:$0x18100] =	vst v63  }
0x154: {  	v3 =	vadd.s32 v1, v3;
	s12 =	simm.s32 $0x15900  }
0x155: {  	[tilespmem:s12], [sflag:$0x1] =	stream.indirect_vreg.gather [hbm4b:s5+s3], $0x80, v4, vm0, $0xb8;
	[tilespmem:$0x18100] =	vst v63  }
0x156: {  	s12 =	simm.s32 $0x16100  }
0x157: {  	[tilespmem:s12], [sflag:$0x1] =	stream.indirect_vreg.gather [hbm4b:s6+s3], $0x80, v4, vm0, $0xb8;
	[tilespmem:$0x18100] =	vst v63  }
0x158: {  	s12 =	simm.s32 $0x16900  }
0x159: {  	[tilespmem:s12], [sflag:$0x1] =	stream.indirect_vreg.gather [hbm4b:s1+s3], $0x80, v3, vm0, $0xb8;
	[tilespmem:$0x18100] =	vst v63  }
0x15a: {  	s12 =	simm.s32 $0x17100  }
0x15b: {  	[tilespmem:s12], [sflag:$0x1] =	stream.indirect_vreg.gather [hbm4b:s5+s3], $0x80, v3, vm0, $0xb8;
	[tilespmem:$0x18100] =	vst v63  }
0x15c: {  	s12 =	simm.s32 $0x17900  }
0x15d: {  	[tilespmem:s12], [sflag:$0x1] =	stream.indirect_vreg.gather [hbm4b:s6+s3], $0x80, v3, vm0, $0xb8;
	[tilespmem:$0x18100] =	vst v63  }
0x15e: {  	_ =	swait.ge [sflag:s4], $0xC000  }
0x15f: {  	p0 =	sne.s32 s7, $0x1;
	[sflag:s4] =	ssyncset.done $0x0  }
.Ltmp0:
0x160: {  	s2 =	rddreg [dreg:$0x7];
	[sflag:s4] =	ssyncadd.s32 $0xFFFF4000;
	(pc) =	sbr.rel @p0 .LBB2_1-.Ltmp0, $4  }
0x161: {  	[hbm4b:s2+s3] =	stream.linear.scatter [tilespmem:s0], [sflag:$0x2], $0xC000, $0x38;
	[tilespmem:$0x18100] =	vst v63  }
0x162: {  	_ =	swait.ge [sflag:s8], $0xC000  }
0x163: {  	[sflag:s8] =	ssyncset.done $0x0  }
0x164: {  	s7 =	sadd.s32 $0xFFFFFFFF, s7;
	[sflag:s8] =	ssyncadd.s32 $0xFFFF4000  }
0x165: {  	_ =	sfence.sel $0x180000  }
0x166: {  	[bflag:$0x0] =	sbarrier.arrive $0xFFFF  }
0x167: {  	_ =	strace $0x90000047  }
0x168: {  	s0 =	stileid.u32;
	[bflag:$0x2] =	sbarrier.arrive $0xFFFF  }
0x169: {  	p0 =	sne.s32 s0, $0x0;
	s0 =	rddreg [dreg:$0x3]  }
0x16a: {  	s0 =	sadd.s32 @!p0 $0x100000, s0  }
0x16b: {  	[sflag:s0] =	ssyncadd.tile.s32 @!p0 $0x1;
	_ =	shalt  }
.Lfunc_end2:
_tile_overlayer_lowered:
.L_overlay_start_2:
0x16c: {  	(tag) =	ssettag $0x2  }
0x16d: {  	s0 =	rddreg [dreg:$0x0];
	s2 =	stileid.u32  }
0x16e: {  	s1 =	rddreg [dreg:$0x1];
	p0 =	sne.s32 s2, $0x0  }
0x16f: {  	s3 =	rddreg [dreg:$0x2];
	[bflag:$0x3] =	sbarrier.arrive $0xFFFF;
	s2 =	simm.s32 @!p0 $0x1C02  }
0x170: {  	[timem:s3], [sflag:s2] =	dma.local @!p0 [hbm:s0], s1  }
0x171: {  	s0 =	simm.s32 @!p0 $0x2  }
0x172: {  	_ =	swait.ge @!p0 [sflag:s0], s1  }
0x173: {  	s1 =	ssub.s32 @!p0 $0x0, s1;
	[sflag:s0] =	ssyncset.done @!p0 $0x0  }
0x174: {  	[sflag:s0] =	ssyncadd.s32 @!p0 s1  }
0x175: {  	[bflag:$0x3] =	sbarrier.arrive $0xFFFF  }
0x176: {  	_ =	shalt  }

</sc_bundles>
